<compile_context>
chip_gen: v7x
topology: tpu7x:2x2x1
jax: 0.10.2.dev20260603
libtpu: 0.0.44.dev20260713+nightly
codegen_flags: <defaults>
</compile_context>

<pallas_src>
import functools

import jax
import jax.numpy as jnp
from jax import lax
from jax.experimental import pallas as pl
from jax.experimental.pallas import tpu as pltpu
from jax.experimental.pallas import tpu_sc as plsc

NUM_CORES = 2
NUM_SUBCORES = 16
NW = NUM_CORES * NUM_SUBCORES

ROWS_PER_CHUNK = 4
NBUF = 6
LEAD = 4


def _emb_body(idx_hbm, table_hbm, out_hbm, idx_v, rows, gsems, wsems):
    b_per_w = idx_hbm.shape[1] * idx_hbm.shape[2]
    wid = lax.axis_index("s") * NUM_CORES + lax.axis_index("c")
    base = wid * b_per_w

    pltpu.sync_copy(idx_hbm.at[wid], idx_v)

    nchunk = b_per_w // ROWS_PER_CHUNK

    def gather(b, c):
        return pltpu.make_async_copy(
            table_hbm.at[idx_v.at[c]],
            rows[b],
            gsems[b],
        )

    def write(b, c):
        return pltpu.make_async_copy(
            rows[b],
            out_hbm.at[pl.ds(base + c * ROWS_PER_CHUNK, ROWS_PER_CHUNK)],
            wsems[b],
        )

    def position(b, c, do_ww, do_gs):
        b2 = (b + LEAD) % NBUF
        if do_ww:
            write(b2, c + LEAD - NBUF).wait()
        if do_gs:
            gather(b2, c + LEAD).start()
        gather(b, c).wait()
        write(b, c).start()

    for b in range(LEAD):
        gather(b, b).start()

    for c in range(NBUF):
        position(c, c, c + LEAD - NBUF >= 0, True)

    def group(g, carry):
        c0 = g * NBUF
        for b in range(NBUF):
            position(b, c0 + b, True, True)
        return carry

    nfull = nchunk // NBUF
    lax.fori_loop(1, nfull, group, 0)

    for c in range(nfull * NBUF, nchunk):
        position(c % NBUF, c, True, c + LEAD < nchunk)
    for c in range(nchunk - (NBUF - LEAD), nchunk):
        write(c % NBUF, c).wait()


def kernel(x, embedding):
    b, s = x.shape
    _, d = embedding.shape
    n = b * s
    b_per_w = n // NW
    flat_idx = x.reshape(NW, b_per_w // ROWS_PER_CHUNK, ROWS_PER_CHUNK)

    mesh = plsc.VectorSubcoreMesh(core_axis_name="c", subcore_axis_name="s")
    emb_call = functools.partial(
        pl.kernel,
        out_type=jax.ShapeDtypeStruct((n, d), jnp.float32),
        mesh=mesh,
        scratch_types=[
            pltpu.VMEM((b_per_w // ROWS_PER_CHUNK, ROWS_PER_CHUNK), jnp.int32),
            [pltpu.VMEM((ROWS_PER_CHUNK, d), jnp.float32) for _ in range(NBUF)],
            [pltpu.SemaphoreType.DMA for _ in range(NBUF)],
            [pltpu.SemaphoreType.DMA for _ in range(NBUF)],
        ],
    )(_emb_body)
    out = emb_call(flat_idx, embedding)
    return out.reshape(b, s, d)

# --- scband reference (transcript-rebuilt; emitter-appended) ---
"""Pipeline reference for scband-parallel-embedding-7267084664991 (READ-ONLY COPY).

The authoritative reference and input builder live on the scoring server;
editing this copy changes nothing except your own understanding.
"""

import jax, jax.numpy as jnp
import numpy as np

VOCAB_SIZE = 32000
DIM = 4096
BATCH = 4
SEQ_LEN = 2048


def setup_inputs(seed: int = 0) -> dict:
    key = jax.random.key(seed)
    k_idx, k_emb = jax.random.split(key)
    x = jax.random.randint(k_idx, (BATCH, SEQ_LEN), 0, VOCAB_SIZE, dtype=jnp.int32)
    embedding = (jax.random.normal(k_emb, (VOCAB_SIZE, DIM), dtype=jnp.float32) * 0.02)
    return {"x": x, "embedding": embedding}


def reference(x, embedding):
    # Faithful translation of ParallelEmbedding.__call__
    # range check (traced; poisons output with NaN if ids are out of range)
    out_of_range = jnp.any((x < 0) | (x >= VOCAB_SIZE))
    embedded = jnp.take(embedding, x, axis=0)
    embedded = jnp.where(out_of_range, jnp.full_like(embedded, jnp.nan), embedded)
    return jnp.asarray(embedded, jnp.float32)

if __name__ == "__main__":
    import jax
    _d = setup_inputs()
    print(jax.jit(kernel)(*tuple(_d.values())))

</pallas_src>

<mosaic_0001>
#map = affine_map<(d0, d1) -> (0, 0, 0)>
#map1 = affine_map<(d0, d1) -> (0, 0)>
module attributes {stable_mosaic.version = 14 : i64} {
  func.func @_emb_body(%arg0: i32, %arg1: i32, %arg2: memref<32x64x4xi32, #tpu.memory_space<hbm>>, %arg3: memref<32000x4096xf32, #tpu.memory_space<hbm>>, %arg4: memref<8192x4096xf32, #tpu.memory_space<hbm>>, %arg5: memref<64x4xi32, #tpu.memory_space<vmem>>, %arg6: memref<4x4096xf32, #tpu.memory_space<vmem>>, %arg7: memref<4x4096xf32, #tpu.memory_space<vmem>>, %arg8: memref<4x4096xf32, #tpu.memory_space<vmem>>, %arg9: memref<4x4096xf32, #tpu.memory_space<vmem>>, %arg10: memref<4x4096xf32, #tpu.memory_space<vmem>>, %arg11: memref<4x4096xf32, #tpu.memory_space<vmem>>, %arg12: memref<!tpu.dma_semaphore, #tpu.memory_space<semaphore_mem>>, %arg13: memref<!tpu.dma_semaphore, #tpu.memory_space<semaphore_mem>>, %arg14: memref<!tpu.dma_semaphore, #tpu.memory_space<semaphore_mem>>, %arg15: memref<!tpu.dma_semaphore, #tpu.memory_space<semaphore_mem>>, %arg16: memref<!tpu.dma_semaphore, #tpu.memory_space<semaphore_mem>>, %arg17: memref<!tpu.dma_semaphore, #tpu.memory_space<semaphore_mem>>, %arg18: memref<!tpu.dma_semaphore, #tpu.memory_space<semaphore_mem>>, %arg19: memref<!tpu.dma_semaphore, #tpu.memory_space<semaphore_mem>>, %arg20: memref<!tpu.dma_semaphore, #tpu.memory_space<semaphore_mem>>, %arg21: memref<!tpu.dma_semaphore, #tpu.memory_space<semaphore_mem>>, %arg22: memref<!tpu.dma_semaphore, #tpu.memory_space<semaphore_mem>>, %arg23: memref<!tpu.dma_semaphore, #tpu.memory_space<semaphore_mem>>) attributes {dimension_semantics = [#tpu.dimension_semantics<core_parallel>, #tpu.dimension_semantics<subcore_parallel>], iteration_bounds = array<i64: 2, 16>, scalar_prefetch = 0 : i64, scratch_operands = 19 : i64, tpu.core_type = #tpu.core_type<sc_vector_subcore>, window_params = [{transform_indices = #map}, {transform_indices = #map1}, {transform_indices = #map1}]} {
    %mul3A = arith.constant 2 : i32
    %mul3A_0 = arith.muli %arg1, %mul3A : i32
    %add3A = arith.addi %mul3A_0, %arg0 : i32
    %mul3A_1 = arith.constant 256 : i32
    %mul3A_2 = arith.muli %add3A, %mul3A_1 : i32
    "tpu.region"() ({
      %run_scoped3A = tpu.sem_alloc : memref<!tpu.dma_semaphore, #tpu.memory_space<semaphore_mem>>
      %dma_start3A_266 = arith.constant 0 : i32
      %dma_start3A_267 = arith.constant 0 : i32
      %dma_start3A_268 = tpu.memref_slice %arg2[%add3A, %dma_start3A_266, %dma_start3A_267] : memref<32x64x4xi32, #tpu.memory_space<hbm>> -> memref<1x64x4xi32, #tpu.memory_space<hbm>>
      %dma_start3A_269 = tpu.memref_squeeze %dma_start3A_268 : memref<1x64x4xi32, #tpu.memory_space<hbm>> -> memref<64x4xi32, #tpu.memory_space<hbm>>
      %dma_start3A_270 = arith.constant 0 : i32
      %dma_start3A_271 = arith.constant 0 : i32
      %dma_start3A_272 = tpu.memref_slice %arg2[%add3A, %dma_start3A_270, %dma_start3A_271] : memref<32x64x4xi32, #tpu.memory_space<hbm>> -> memref<1x64x4xi32, #tpu.memory_space<hbm>>
      %dma_start3A_273 = tpu.memref_squeeze %dma_start3A_272 : memref<1x64x4xi32, #tpu.memory_space<hbm>> -> memref<64x4xi32, #tpu.memory_space<hbm>>
      tpu.enqueue_dma source(%dma_start3A_273 : memref<64x4xi32, #tpu.memory_space<hbm>>) target(%arg5 : memref<64x4xi32, #tpu.memory_space<vmem>>) target_semaphore(%run_scoped3A : memref<!tpu.dma_semaphore, #tpu.memory_space<semaphore_mem>>)
      %dma_wait3A_274 = arith.constant 0 : i32
      %dma_wait3A_275 = arith.constant 0 : i32
      %dma_wait3A_276 = tpu.memref_slice %arg2[%add3A, %dma_wait3A_274, %dma_wait3A_275] : memref<32x64x4xi32, #tpu.memory_space<hbm>> -> memref<1x64x4xi32, #tpu.memory_space<hbm>>
      %dma_wait3A_277 = tpu.memref_squeeze %dma_wait3A_276 : memref<1x64x4xi32, #tpu.memory_space<hbm>> -> memref<64x4xi32, #tpu.memory_space<hbm>>
      %dma_wait3A_278 = arith.constant 0 : i32
      %dma_wait3A_279 = arith.constant 0 : i32
      %dma_wait3A_280 = tpu.memref_slice %arg2[%add3A, %dma_wait3A_278, %dma_wait3A_279] : memref<32x64x4xi32, #tpu.memory_space<hbm>> -> memref<1x64x4xi32, #tpu.memory_space<hbm>>
      %dma_wait3A_281 = tpu.memref_squeeze %dma_wait3A_280 : memref<1x64x4xi32, #tpu.memory_space<hbm>> -> memref<64x4xi32, #tpu.memory_space<hbm>>
      tpu.wait_dma2 semaphore(%run_scoped3A : memref<!tpu.dma_semaphore, #tpu.memory_space<semaphore_mem>>) src(%dma_wait3A_281 : memref<64x4xi32, #tpu.memory_space<hbm>>) dst(%arg5 : memref<64x4xi32, #tpu.memory_space<vmem>>)
      tpu.yield
    }) : () -> ()
    %dma_start3A = arith.constant 0 : i32
    %dma_start3A_3 = arith.constant 0 : i32
    %dma_start3A_4 = tpu.memref_slice %arg5[%dma_start3A, %dma_start3A_3] : memref<64x4xi32, #tpu.memory_space<vmem>> -> memref<1x4xi32, #tpu.memory_space<vmem>>
    %dma_start3A_5 = tpu.memref_squeeze %dma_start3A_4 : memref<1x4xi32, #tpu.memory_space<vmem>> -> memref<4xi32, #tpu.memory_space<vmem>>
    %dma_start3A_6 = arith.constant 0 : i32
    %dma_start3A_7 = arith.constant 0 : i32
    %dma_start3A_8 = tpu.memref_slice %arg3[%dma_start3A_6, %dma_start3A_7] : memref<32000x4096xf32, #tpu.memory_space<hbm>> -> memref<32000x4096xf32, #tpu.memory_space<hbm>>
    tpu.enqueue_indirect_dma source(%dma_start3A_8 : memref<32000x4096xf32, #tpu.memory_space<hbm>>) target(%arg6 : memref<4x4096xf32, #tpu.memory_space<vmem>>) offsets(%dma_start3A_5 : memref<4xi32, #tpu.memory_space<vmem>>) semaphore(%arg12 : memref<!tpu.dma_semaphore, #tpu.memory_space<semaphore_mem>>)
    %dma_start3A_9 = arith.constant 1 : i32
    %dma_start3A_10 = arith.constant 0 : i32
    %dma_start3A_11 = tpu.memref_slice %arg5[%dma_start3A_9, %dma_start3A_10] : memref<64x4xi32, #tpu.memory_space<vmem>> -> memref<1x4xi32, #tpu.memory_space<vmem>>
    %dma_start3A_12 = tpu.memref_squeeze %dma_start3A_11 : memref<1x4xi32, #tpu.memory_space<vmem>> -> memref<4xi32, #tpu.memory_space<vmem>>
    %dma_start3A_13 = arith.constant 0 : i32
    %dma_start3A_14 = arith.constant 0 : i32
    %dma_start3A_15 = tpu.memref_slice %arg3[%dma_start3A_13, %dma_start3A_14] : memref<32000x4096xf32, #tpu.memory_space<hbm>> -> memref<32000x4096xf32, #tpu.memory_space<hbm>>
    tpu.enqueue_indirect_dma source(%dma_start3A_15 : memref<32000x4096xf32, #tpu.memory_space<hbm>>) target(%arg7 : memref<4x4096xf32, #tpu.memory_space<vmem>>) offsets(%dma_start3A_12 : memref<4xi32, #tpu.memory_space<vmem>>) semaphore(%arg13 : memref<!tpu.dma_semaphore, #tpu.memory_space<semaphore_mem>>)
    %dma_start3A_16 = arith.constant 2 : i32
    %dma_start3A_17 = arith.constant 0 : i32
    %dma_start3A_18 = tpu.memref_slice %arg5[%dma_start3A_16, %dma_start3A_17] : memref<64x4xi32, #tpu.memory_space<vmem>> -> memref<1x4xi32, #tpu.memory_space<vmem>>
    %dma_start3A_19 = tpu.memref_squeeze %dma_start3A_18 : memref<1x4xi32, #tpu.memory_space<vmem>> -> memref<4xi32, #tpu.memory_space<vmem>>
    %dma_start3A_20 = arith.constant 0 : i32
    %dma_start3A_21 = arith.constant 0 : i32
    %dma_start3A_22 = tpu.memref_slice %arg3[%dma_start3A_20, %dma_start3A_21] : memref<32000x4096xf32, #tpu.memory_space<hbm>> -> memref<32000x4096xf32, #tpu.memory_space<hbm>>
    tpu.enqueue_indirect_dma source(%dma_start3A_22 : memref<32000x4096xf32, #tpu.memory_space<hbm>>) target(%arg8 : memref<4x4096xf32, #tpu.memory_space<vmem>>) offsets(%dma_start3A_19 : memref<4xi32, #tpu.memory_space<vmem>>) semaphore(%arg14 : memref<!tpu.dma_semaphore, #tpu.memory_space<semaphore_mem>>)
    %dma_start3A_23 = arith.constant 3 : i32
    %dma_start3A_24 = arith.constant 0 : i32
    %dma_start3A_25 = tpu.memref_slice %arg5[%dma_start3A_23, %dma_start3A_24] : memref<64x4xi32, #tpu.memory_space<vmem>> -> memref<1x4xi32, #tpu.memory_space<vmem>>
    %dma_start3A_26 = tpu.memref_squeeze %dma_start3A_25 : memref<1x4xi32, #tpu.memory_space<vmem>> -> memref<4xi32, #tpu.memory_space<vmem>>
    %dma_start3A_27 = arith.constant 0 : i32
    %dma_start3A_28 = arith.constant 0 : i32
    %dma_start3A_29 = tpu.memref_slice %arg3[%dma_start3A_27, %dma_start3A_28] : memref<32000x4096xf32, #tpu.memory_space<hbm>> -> memref<32000x4096xf32, #tpu.memory_space<hbm>>
    tpu.enqueue_indirect_dma source(%dma_start3A_29 : memref<32000x4096xf32, #tpu.memory_space<hbm>>) target(%arg9 : memref<4x4096xf32, #tpu.memory_space<vmem>>) offsets(%dma_start3A_26 : memref<4xi32, #tpu.memory_space<vmem>>) semaphore(%arg15 : memref<!tpu.dma_semaphore, #tpu.memory_space<semaphore_mem>>)
    %dma_start3A_30 = arith.constant 4 : i32
    %dma_start3A_31 = arith.constant 0 : i32
    %dma_start3A_32 = tpu.memref_slice %arg5[%dma_start3A_30, %dma_start3A_31] : memref<64x4xi32, #tpu.memory_space<vmem>> -> memref<1x4xi32, #tpu.memory_space<vmem>>
    %dma_start3A_33 = tpu.memref_squeeze %dma_start3A_32 : memref<1x4xi32, #tpu.memory_space<vmem>> -> memref<4xi32, #tpu.memory_space<vmem>>
    %dma_start3A_34 = arith.constant 0 : i32
    %dma_start3A_35 = arith.constant 0 : i32
    %dma_start3A_36 = tpu.memref_slice %arg3[%dma_start3A_34, %dma_start3A_35] : memref<32000x4096xf32, #tpu.memory_space<hbm>> -> memref<32000x4096xf32, #tpu.memory_space<hbm>>
    tpu.enqueue_indirect_dma source(%dma_start3A_36 : memref<32000x4096xf32, #tpu.memory_space<hbm>>) target(%arg10 : memref<4x4096xf32, #tpu.memory_space<vmem>>) offsets(%dma_start3A_33 : memref<4xi32, #tpu.memory_space<vmem>>) semaphore(%arg16 : memref<!tpu.dma_semaphore, #tpu.memory_space<semaphore_mem>>)
    %dma_wait3A = arith.constant 0 : i32
    %dma_wait3A_37 = arith.constant 0 : i32
    %dma_wait3A_38 = tpu.memref_slice %arg5[%dma_wait3A, %dma_wait3A_37] : memref<64x4xi32, #tpu.memory_space<vmem>> -> memref<1x4xi32, #tpu.memory_space<vmem>>
    %dma_wait3A_39 = tpu.memref_squeeze %dma_wait3A_38 : memref<1x4xi32, #tpu.memory_space<vmem>> -> memref<4xi32, #tpu.memory_space<vmem>>
    %dma_wait3A_40 = arith.constant 0 : i32
    %dma_wait3A_41 = arith.constant 0 : i32
    %dma_wait3A_42 = tpu.memref_slice %arg3[%dma_wait3A_40, %dma_wait3A_41] : memref<32000x4096xf32, #tpu.memory_space<hbm>> -> memref<32000x4096xf32, #tpu.memory_space<hbm>>
    tpu.wait_indirect_dma semaphore(%arg12 : memref<!tpu.dma_semaphore, #tpu.memory_space<semaphore_mem>>) src(%dma_wait3A_42 : memref<32000x4096xf32, #tpu.memory_space<hbm>>) dst(%arg6 : memref<4x4096xf32, #tpu.memory_space<vmem>>)
    %add3A_43 = arith.constant 0 : i32
    %add3A_44 = arith.addi %mul3A_2, %add3A_43 : i32
    %dma_start3A_45 = arith.constant 0 : i32
    %dma_start3A_46 = tpu.memref_slice %arg4[%add3A_44, %dma_start3A_45] : memref<8192x4096xf32, #tpu.memory_space<hbm>> -> memref<4x4096xf32, #tpu.memory_space<hbm>>
    %dma_start3A_47 = arith.constant 0 : i32
    %dma_start3A_48 = tpu.memref_slice %arg4[%add3A_44, %dma_start3A_47] : memref<8192x4096xf32, #tpu.memory_space<hbm>> -> memref<4x4096xf32, #tpu.memory_space<hbm>>
    tpu.enqueue_dma source(%arg6 : memref<4x4096xf32, #tpu.memory_space<vmem>>) target(%dma_start3A_48 : memref<4x4096xf32, #tpu.memory_space<hbm>>) target_semaphore(%arg18 : memref<!tpu.dma_semaphore, #tpu.memory_space<semaphore_mem>>)
    %dma_start3A_49 = arith.constant 5 : i32
    %dma_start3A_50 = arith.constant 0 : i32
    %dma_start3A_51 = tpu.memref_slice %arg5[%dma_start3A_49, %dma_start3A_50] : memref<64x4xi32, #tpu.memory_space<vmem>> -> memref<1x4xi32, #tpu.memory_space<vmem>>
    %dma_start3A_52 = tpu.memref_squeeze %dma_start3A_51 : memref<1x4xi32, #tpu.memory_space<vmem>> -> memref<4xi32, #tpu.memory_space<vmem>>
    %dma_start3A_53 = arith.constant 0 : i32
    %dma_start3A_54 = arith.constant 0 : i32
    %dma_start3A_55 = tpu.memref_slice %arg3[%dma_start3A_53, %dma_start3A_54] : memref<32000x4096xf32, #tpu.memory_space<hbm>> -> memref<32000x4096xf32, #tpu.memory_space<hbm>>
    tpu.enqueue_indirect_dma source(%dma_start3A_55 : memref<32000x4096xf32, #tpu.memory_space<hbm>>) target(%arg11 : memref<4x4096xf32, #tpu.memory_space<vmem>>) offsets(%dma_start3A_52 : memref<4xi32, #tpu.memory_space<vmem>>) semaphore(%arg17 : memref<!tpu.dma_semaphore, #tpu.memory_space<semaphore_mem>>)
    %dma_wait3A_56 = arith.constant 1 : i32
    %dma_wait3A_57 = arith.constant 0 : i32
    %dma_wait3A_58 = tpu.memref_slice %arg5[%dma_wait3A_56, %dma_wait3A_57] : memref<64x4xi32, #tpu.memory_space<vmem>> -> memref<1x4xi32, #tpu.memory_space<vmem>>
    %dma_wait3A_59 = tpu.memref_squeeze %dma_wait3A_58 : memref<1x4xi32, #tpu.memory_space<vmem>> -> memref<4xi32, #tpu.memory_space<vmem>>
    %dma_wait3A_60 = arith.constant 0 : i32
    %dma_wait3A_61 = arith.constant 0 : i32
    %dma_wait3A_62 = tpu.memref_slice %arg3[%dma_wait3A_60, %dma_wait3A_61] : memref<32000x4096xf32, #tpu.memory_space<hbm>> -> memref<32000x4096xf32, #tpu.memory_space<hbm>>
    tpu.wait_indirect_dma semaphore(%arg13 : memref<!tpu.dma_semaphore, #tpu.memory_space<semaphore_mem>>) src(%dma_wait3A_62 : memref<32000x4096xf32, #tpu.memory_space<hbm>>) dst(%arg7 : memref<4x4096xf32, #tpu.memory_space<vmem>>)
    %add3A_63 = arith.constant 4 : i32
    %add3A_64 = arith.addi %mul3A_2, %add3A_63 : i32
    %dma_start3A_65 = arith.constant 0 : i32
    %dma_start3A_66 = tpu.memref_slice %arg4[%add3A_64, %dma_start3A_65] : memref<8192x4096xf32, #tpu.memory_space<hbm>> -> memref<4x4096xf32, #tpu.memory_space<hbm>>
    %dma_start3A_67 = arith.constant 0 : i32
    %dma_start3A_68 = tpu.memref_slice %arg4[%add3A_64, %dma_start3A_67] : memref<8192x4096xf32, #tpu.memory_space<hbm>> -> memref<4x4096xf32, #tpu.memory_space<hbm>>
    tpu.enqueue_dma source(%arg7 : memref<4x4096xf32, #tpu.memory_space<vmem>>) target(%dma_start3A_68 : memref<4x4096xf32, #tpu.memory_space<hbm>>) target_semaphore(%arg19 : memref<!tpu.dma_semaphore, #tpu.memory_space<semaphore_mem>>)
    %add3A_69 = arith.constant 0 : i32
    %add3A_70 = arith.addi %mul3A_2, %add3A_69 : i32
    %dma_wait3A_71 = arith.constant 0 : i32
    %dma_wait3A_72 = tpu.memref_slice %arg4[%add3A_70, %dma_wait3A_71] : memref<8192x4096xf32, #tpu.memory_space<hbm>> -> memref<4x4096xf32, #tpu.memory_space<hbm>>
    %dma_wait3A_73 = arith.constant 0 : i32
    %dma_wait3A_74 = tpu.memref_slice %arg4[%add3A_70, %dma_wait3A_73] : memref<8192x4096xf32, #tpu.memory_space<hbm>> -> memref<4x4096xf32, #tpu.memory_space<hbm>>
    tpu.wait_dma2 semaphore(%arg18 : memref<!tpu.dma_semaphore, #tpu.memory_space<semaphore_mem>>) src(%arg6 : memref<4x4096xf32, #tpu.memory_space<vmem>>) dst(%dma_wait3A_74 : memref<4x4096xf32, #tpu.memory_space<hbm>>)
    %dma_start3A_75 = arith.constant 6 : i32
    %dma_start3A_76 = arith.constant 0 : i32
    %dma_start3A_77 = tpu.memref_slice %arg5[%dma_start3A_75, %dma_start3A_76] : memref<64x4xi32, #tpu.memory_space<vmem>> -> memref<1x4xi32, #tpu.memory_space<vmem>>
    %dma_start3A_78 = tpu.memref_squeeze %dma_start3A_77 : memref<1x4xi32, #tpu.memory_space<vmem>> -> memref<4xi32, #tpu.memory_space<vmem>>
    %dma_start3A_79 = arith.constant 0 : i32
    %dma_start3A_80 = arith.constant 0 : i32
    %dma_start3A_81 = tpu.memref_slice %arg3[%dma_start3A_79, %dma_start3A_80] : memref<32000x4096xf32, #tpu.memory_space<hbm>> -> memref<32000x4096xf32, #tpu.memory_space<hbm>>
    tpu.enqueue_indirect_dma source(%dma_start3A_81 : memref<32000x4096xf32, #tpu.memory_space<hbm>>) target(%arg6 : memref<4x4096xf32, #tpu.memory_space<vmem>>) offsets(%dma_start3A_78 : memref<4xi32, #tpu.memory_space<vmem>>) semaphore(%arg12 : memref<!tpu.dma_semaphore, #tpu.memory_space<semaphore_mem>>)
    %dma_wait3A_82 = arith.constant 2 : i32
    %dma_wait3A_83 = arith.constant 0 : i32
    %dma_wait3A_84 = tpu.memref_slice %arg5[%dma_wait3A_82, %dma_wait3A_83] : memref<64x4xi32, #tpu.memory_space<vmem>> -> memref<1x4xi32, #tpu.memory_space<vmem>>
    %dma_wait3A_85 = tpu.memref_squeeze %dma_wait3A_84 : memref<1x4xi32, #tpu.memory_space<vmem>> -> memref<4xi32, #tpu.memory_space<vmem>>
    %dma_wait3A_86 = arith.constant 0 : i32
    %dma_wait3A_87 = arith.constant 0 : i32
    %dma_wait3A_88 = tpu.memref_slice %arg3[%dma_wait3A_86, %dma_wait3A_87] : memref<32000x4096xf32, #tpu.memory_space<hbm>> -> memref<32000x4096xf32, #tpu.memory_space<hbm>>
    tpu.wait_indirect_dma semaphore(%arg14 : memref<!tpu.dma_semaphore, #tpu.memory_space<semaphore_mem>>) src(%dma_wait3A_88 : memref<32000x4096xf32, #tpu.memory_space<hbm>>) dst(%arg8 : memref<4x4096xf32, #tpu.memory_space<vmem>>)
    %add3A_89 = arith.constant 8 : i32
    %add3A_90 = arith.addi %mul3A_2, %add3A_89 : i32
    %dma_start3A_91 = arith.constant 0 : i32
    %dma_start3A_92 = tpu.memref_slice %arg4[%add3A_90, %dma_start3A_91] : memref<8192x4096xf32, #tpu.memory_space<hbm>> -> memref<4x4096xf32, #tpu.memory_space<hbm>>
    %dma_start3A_93 = arith.constant 0 : i32
    %dma_start3A_94 = tpu.memref_slice %arg4[%add3A_90, %dma_start3A_93] : memref<8192x4096xf32, #tpu.memory_space<hbm>> -> memref<4x4096xf32, #tpu.memory_space<hbm>>
    tpu.enqueue_dma source(%arg8 : memref<4x4096xf32, #tpu.memory_space<vmem>>) target(%dma_start3A_94 : memref<4x4096xf32, #tpu.memory_space<hbm>>) target_semaphore(%arg20 : memref<!tpu.dma_semaphore, #tpu.memory_space<semaphore_mem>>)
    %add3A_95 = arith.constant 4 : i32
    %add3A_96 = arith.addi %mul3A_2, %add3A_95 : i32
    %dma_wait3A_97 = arith.constant 0 : i32
    %dma_wait3A_98 = tpu.memref_slice %arg4[%add3A_96, %dma_wait3A_97] : memref<8192x4096xf32, #tpu.memory_space<hbm>> -> memref<4x4096xf32, #tpu.memory_space<hbm>>
    %dma_wait3A_99 = arith.constant 0 : i32
    %dma_wait3A_100 = tpu.memref_slice %arg4[%add3A_96, %dma_wait3A_99] : memref<8192x4096xf32, #tpu.memory_space<hbm>> -> memref<4x4096xf32, #tpu.memory_space<hbm>>
    tpu.wait_dma2 semaphore(%arg19 : memref<!tpu.dma_semaphore, #tpu.memory_space<semaphore_mem>>) src(%arg7 : memref<4x4096xf32, #tpu.memory_space<vmem>>) dst(%dma_wait3A_100 : memref<4x4096xf32, #tpu.memory_space<hbm>>)
    %dma_start3A_101 = arith.constant 7 : i32
    %dma_start3A_102 = arith.constant 0 : i32
    %dma_start3A_103 = tpu.memref_slice %arg5[%dma_start3A_101, %dma_start3A_102] : memref<64x4xi32, #tpu.memory_space<vmem>> -> memref<1x4xi32, #tpu.memory_space<vmem>>
    %dma_start3A_104 = tpu.memref_squeeze %dma_start3A_103 : memref<1x4xi32, #tpu.memory_space<vmem>> -> memref<4xi32, #tpu.memory_space<vmem>>
    %dma_start3A_105 = arith.constant 0 : i32
    %dma_start3A_106 = arith.constant 0 : i32
    %dma_start3A_107 = tpu.memref_slice %arg3[%dma_start3A_105, %dma_start3A_106] : memref<32000x4096xf32, #tpu.memory_space<hbm>> -> memref<32000x4096xf32, #tpu.memory_space<hbm>>
    tpu.enqueue_indirect_dma source(%dma_start3A_107 : memref<32000x4096xf32, #tpu.memory_space<hbm>>) target(%arg7 : memref<4x4096xf32, #tpu.memory_space<vmem>>) offsets(%dma_start3A_104 : memref<4xi32, #tpu.memory_space<vmem>>) semaphore(%arg13 : memref<!tpu.dma_semaphore, #tpu.memory_space<semaphore_mem>>)
    %dma_wait3A_108 = arith.constant 3 : i32
    %dma_wait3A_109 = arith.constant 0 : i32
    %dma_wait3A_110 = tpu.memref_slice %arg5[%dma_wait3A_108, %dma_wait3A_109] : memref<64x4xi32, #tpu.memory_space<vmem>> -> memref<1x4xi32, #tpu.memory_space<vmem>>
    %dma_wait3A_111 = tpu.memref_squeeze %dma_wait3A_110 : memref<1x4xi32, #tpu.memory_space<vmem>> -> memref<4xi32, #tpu.memory_space<vmem>>
    %dma_wait3A_112 = arith.constant 0 : i32
    %dma_wait3A_113 = arith.constant 0 : i32
    %dma_wait3A_114 = tpu.memref_slice %arg3[%dma_wait3A_112, %dma_wait3A_113] : memref<32000x4096xf32, #tpu.memory_space<hbm>> -> memref<32000x4096xf32, #tpu.memory_space<hbm>>
    tpu.wait_indirect_dma semaphore(%arg15 : memref<!tpu.dma_semaphore, #tpu.memory_space<semaphore_mem>>) src(%dma_wait3A_114 : memref<32000x4096xf32, #tpu.memory_space<hbm>>) dst(%arg9 : memref<4x4096xf32, #tpu.memory_space<vmem>>)
    %add3A_115 = arith.constant 12 : i32
    %add3A_116 = arith.addi %mul3A_2, %add3A_115 : i32
    %dma_start3A_117 = arith.constant 0 : i32
    %dma_start3A_118 = tpu.memref_slice %arg4[%add3A_116, %dma_start3A_117] : memref<8192x4096xf32, #tpu.memory_space<hbm>> -> memref<4x4096xf32, #tpu.memory_space<hbm>>
    %dma_start3A_119 = arith.constant 0 : i32
    %dma_start3A_120 = tpu.memref_slice %arg4[%add3A_116, %dma_start3A_119] : memref<8192x4096xf32, #tpu.memory_space<hbm>> -> memref<4x4096xf32, #tpu.memory_space<hbm>>
    tpu.enqueue_dma source(%arg9 : memref<4x4096xf32, #tpu.memory_space<vmem>>) target(%dma_start3A_120 : memref<4x4096xf32, #tpu.memory_space<hbm>>) target_semaphore(%arg21 : memref<!tpu.dma_semaphore, #tpu.memory_space<semaphore_mem>>)
    %add3A_121 = arith.constant 8 : i32
    %add3A_122 = arith.addi %mul3A_2, %add3A_121 : i32
    %dma_wait3A_123 = arith.constant 0 : i32
    %dma_wait3A_124 = tpu.memref_slice %arg4[%add3A_122, %dma_wait3A_123] : memref<8192x4096xf32, #tpu.memory_space<hbm>> -> memref<4x4096xf32, #tpu.memory_space<hbm>>
    %dma_wait3A_125 = arith.constant 0 : i32
    %dma_wait3A_126 = tpu.memref_slice %arg4[%add3A_122, %dma_wait3A_125] : memref<8192x4096xf32, #tpu.memory_space<hbm>> -> memref<4x4096xf32, #tpu.memory_space<hbm>>
    tpu.wait_dma2 semaphore(%arg20 : memref<!tpu.dma_semaphore, #tpu.memory_space<semaphore_mem>>) src(%arg8 : memref<4x4096xf32, #tpu.memory_space<vmem>>) dst(%dma_wait3A_126 : memref<4x4096xf32, #tpu.memory_space<hbm>>)
    %dma_start3A_127 = arith.constant 8 : i32
    %dma_start3A_128 = arith.constant 0 : i32
    %dma_start3A_129 = tpu.memref_slice %arg5[%dma_start3A_127, %dma_start3A_128] : memref<64x4xi32, #tpu.memory_space<vmem>> -> memref<1x4xi32, #tpu.memory_space<vmem>>
    %dma_start3A_130 = tpu.memref_squeeze %dma_start3A_129 : memref<1x4xi32, #tpu.memory_space<vmem>> -> memref<4xi32, #tpu.memory_space<vmem>>
    %dma_start3A_131 = arith.constant 0 : i32
    %dma_start3A_132 = arith.constant 0 : i32
    %dma_start3A_133 = tpu.memref_slice %arg3[%dma_start3A_131, %dma_start3A_132] : memref<32000x4096xf32, #tpu.memory_space<hbm>> -> memref<32000x4096xf32, #tpu.memory_space<hbm>>
    tpu.enqueue_indirect_dma source(%dma_start3A_133 : memref<32000x4096xf32, #tpu.memory_space<hbm>>) target(%arg8 : memref<4x4096xf32, #tpu.memory_space<vmem>>) offsets(%dma_start3A_130 : memref<4xi32, #tpu.memory_space<vmem>>) semaphore(%arg14 : memref<!tpu.dma_semaphore, #tpu.memory_space<semaphore_mem>>)
    %dma_wait3A_134 = arith.constant 4 : i32
    %dma_wait3A_135 = arith.constant 0 : i32
    %dma_wait3A_136 = tpu.memref_slice %arg5[%dma_wait3A_134, %dma_wait3A_135] : memref<64x4xi32, #tpu.memory_space<vmem>> -> memref<1x4xi32, #tpu.memory_space<vmem>>
    %dma_wait3A_137 = tpu.memref_squeeze %dma_wait3A_136 : memref<1x4xi32, #tpu.memory_space<vmem>> -> memref<4xi32, #tpu.memory_space<vmem>>
    %dma_wait3A_138 = arith.constant 0 : i32
    %dma_wait3A_139 = arith.constant 0 : i32
    %dma_wait3A_140 = tpu.memref_slice %arg3[%dma_wait3A_138, %dma_wait3A_139] : memref<32000x4096xf32, #tpu.memory_space<hbm>> -> memref<32000x4096xf32, #tpu.memory_space<hbm>>
    tpu.wait_indirect_dma semaphore(%arg16 : memref<!tpu.dma_semaphore, #tpu.memory_space<semaphore_mem>>) src(%dma_wait3A_140 : memref<32000x4096xf32, #tpu.memory_space<hbm>>) dst(%arg10 : memref<4x4096xf32, #tpu.memory_space<vmem>>)
    %add3A_141 = arith.constant 16 : i32
    %add3A_142 = arith.addi %mul3A_2, %add3A_141 : i32
    %dma_start3A_143 = arith.constant 0 : i32
    %dma_start3A_144 = tpu.memref_slice %arg4[%add3A_142, %dma_start3A_143] : memref<8192x4096xf32, #tpu.memory_space<hbm>> -> memref<4x4096xf32, #tpu.memory_space<hbm>>
    %dma_start3A_145 = arith.constant 0 : i32
    %dma_start3A_146 = tpu.memref_slice %arg4[%add3A_142, %dma_start3A_145] : memref<8192x4096xf32, #tpu.memory_space<hbm>> -> memref<4x4096xf32, #tpu.memory_space<hbm>>
    tpu.enqueue_dma source(%arg10 : memref<4x4096xf32, #tpu.memory_space<vmem>>) target(%dma_start3A_146 : memref<4x4096xf32, #tpu.memory_space<hbm>>) target_semaphore(%arg22 : memref<!tpu.dma_semaphore, #tpu.memory_space<semaphore_mem>>)
    %add3A_147 = arith.constant 12 : i32
    %add3A_148 = arith.addi %mul3A_2, %add3A_147 : i32
    %dma_wait3A_149 = arith.constant 0 : i32
    %dma_wait3A_150 = tpu.memref_slice %arg4[%add3A_148, %dma_wait3A_149] : memref<8192x4096xf32, #tpu.memory_space<hbm>> -> memref<4x4096xf32, #tpu.memory_space<hbm>>
    %dma_wait3A_151 = arith.constant 0 : i32
    %dma_wait3A_152 = tpu.memref_slice %arg4[%add3A_148, %dma_wait3A_151] : memref<8192x4096xf32, #tpu.memory_space<hbm>> -> memref<4x4096xf32, #tpu.memory_space<hbm>>
    tpu.wait_dma2 semaphore(%arg21 : memref<!tpu.dma_semaphore, #tpu.memory_space<semaphore_mem>>) src(%arg9 : memref<4x4096xf32, #tpu.memory_space<vmem>>) dst(%dma_wait3A_152 : memref<4x4096xf32, #tpu.memory_space<hbm>>)
    %dma_start3A_153 = arith.constant 9 : i32
    %dma_start3A_154 = arith.constant 0 : i32
    %dma_start3A_155 = tpu.memref_slice %arg5[%dma_start3A_153, %dma_start3A_154] : memref<64x4xi32, #tpu.memory_space<vmem>> -> memref<1x4xi32, #tpu.memory_space<vmem>>
    %dma_start3A_156 = tpu.memref_squeeze %dma_start3A_155 : memref<1x4xi32, #tpu.memory_space<vmem>> -> memref<4xi32, #tpu.memory_space<vmem>>
    %dma_start3A_157 = arith.constant 0 : i32
    %dma_start3A_158 = arith.constant 0 : i32
    %dma_start3A_159 = tpu.memref_slice %arg3[%dma_start3A_157, %dma_start3A_158] : memref<32000x4096xf32, #tpu.memory_space<hbm>> -> memref<32000x4096xf32, #tpu.memory_space<hbm>>
    tpu.enqueue_indirect_dma source(%dma_start3A_159 : memref<32000x4096xf32, #tpu.memory_space<hbm>>) target(%arg9 : memref<4x4096xf32, #tpu.memory_space<vmem>>) offsets(%dma_start3A_156 : memref<4xi32, #tpu.memory_space<vmem>>) semaphore(%arg15 : memref<!tpu.dma_semaphore, #tpu.memory_space<semaphore_mem>>)
    %dma_wait3A_160 = arith.constant 5 : i32
    %dma_wait3A_161 = arith.constant 0 : i32
    %dma_wait3A_162 = tpu.memref_slice %arg5[%dma_wait3A_160, %dma_wait3A_161] : memref<64x4xi32, #tpu.memory_space<vmem>> -> memref<1x4xi32, #tpu.memory_space<vmem>>
    %dma_wait3A_163 = tpu.memref_squeeze %dma_wait3A_162 : memref<1x4xi32, #tpu.memory_space<vmem>> -> memref<4xi32, #tpu.memory_space<vmem>>
    %dma_wait3A_164 = arith.constant 0 : i32
    %dma_wait3A_165 = arith.constant 0 : i32
    %dma_wait3A_166 = tpu.memref_slice %arg3[%dma_wait3A_164, %dma_wait3A_165] : memref<32000x4096xf32, #tpu.memory_space<hbm>> -> memref<32000x4096xf32, #tpu.memory_space<hbm>>
    tpu.wait_indirect_dma semaphore(%arg17 : memref<!tpu.dma_semaphore, #tpu.memory_space<semaphore_mem>>) src(%dma_wait3A_166 : memref<32000x4096xf32, #tpu.memory_space<hbm>>) dst(%arg11 : memref<4x4096xf32, #tpu.memory_space<vmem>>)
    %add3A_167 = arith.constant 20 : i32
    %add3A_168 = arith.addi %mul3A_2, %add3A_167 : i32
    %dma_start3A_169 = arith.constant 0 : i32
    %dma_start3A_170 = tpu.memref_slice %arg4[%add3A_168, %dma_start3A_169] : memref<8192x4096xf32, #tpu.memory_space<hbm>> -> memref<4x4096xf32, #tpu.memory_space<hbm>>
    %dma_start3A_171 = arith.constant 0 : i32
    %dma_start3A_172 = tpu.memref_slice %arg4[%add3A_168, %dma_start3A_171] : memref<8192x4096xf32, #tpu.memory_space<hbm>> -> memref<4x4096xf32, #tpu.memory_space<hbm>>
    tpu.enqueue_dma source(%arg11 : memref<4x4096xf32, #tpu.memory_space<vmem>>) target(%dma_start3A_172 : memref<4x4096xf32, #tpu.memory_space<hbm>>) target_semaphore(%arg23 : memref<!tpu.dma_semaphore, #tpu.memory_space<semaphore_mem>>)
    %scan3A = arith.constant 0 : i32
    %scan3A_173 = arith.constant 1 : i32
    %scan3A_174 = arith.constant 9 : i32
    %scan3A_175 = arith.addi %scan3A_173, %scan3A_174 : i32
    %scan3A_176 = arith.constant 1 : i32
    scf.for %scan3A_266 = %scan3A_173 to %scan3A_175 step %scan3A_176  : i32 {
      %mul3A_267 = arith.constant 6 : i32
      %mul3A_268 = arith.muli %scan3A_266, %mul3A_267 : i32
      %add3A_269 = arith.constant 0 : i32
      %add3A_270 = arith.addi %mul3A_268, %add3A_269 : i32
      %add3A_271 = arith.constant 4 : i32
      %add3A_272 = arith.addi %add3A_270, %add3A_271 : i32
      %sub3A = arith.constant 6 : i32
      %sub3A_273 = arith.subi %add3A_272, %sub3A : i32
      %mul3A_274 = arith.constant 4 : i32
      %mul3A_275 = arith.muli %sub3A_273, %mul3A_274 : i32
      %add3A_276 = arith.addi %mul3A_2, %mul3A_275 : i32
      %dma_wait3A_277 = arith.constant 0 : i32
      %dma_wait3A_278 = tpu.memref_slice %arg4[%add3A_276, %dma_wait3A_277] : memref<8192x4096xf32, #tpu.memory_space<hbm>> -> memref<4x4096xf32, #tpu.memory_space<hbm>>
      %dma_wait3A_279 = arith.constant 0 : i32
      %dma_wait3A_280 = tpu.memref_slice %arg4[%add3A_276, %dma_wait3A_279] : memref<8192x4096xf32, #tpu.memory_space<hbm>> -> memref<4x4096xf32, #tpu.memory_space<hbm>>
      tpu.wait_dma2 semaphore(%arg22 : memref<!tpu.dma_semaphore, #tpu.memory_space<semaphore_mem>>) src(%arg10 : memref<4x4096xf32, #tpu.memory_space<vmem>>) dst(%dma_wait3A_280 : memref<4x4096xf32, #tpu.memory_space<hbm>>)
      %add3A_281 = arith.constant 4 : i32
      %add3A_282 = arith.addi %add3A_270, %add3A_281 : i32
      %dma_start3A_283 = arith.constant 0 : i32
      %dma_start3A_284 = tpu.memref_slice %arg5[%add3A_282, %dma_start3A_283] : memref<64x4xi32, #tpu.memory_space<vmem>> -> memref<1x4xi32, #tpu.memory_space<vmem>>
      %dma_start3A_285 = tpu.memref_squeeze %dma_start3A_284 : memref<1x4xi32, #tpu.memory_space<vmem>> -> memref<4xi32, #tpu.memory_space<vmem>>
      %dma_start3A_286 = arith.constant 0 : i32
      %dma_start3A_287 = arith.constant 0 : i32
      %dma_start3A_288 = tpu.memref_slice %arg3[%dma_start3A_286, %dma_start3A_287] : memref<32000x4096xf32, #tpu.memory_space<hbm>> -> memref<32000x4096xf32, #tpu.memory_space<hbm>>
      tpu.enqueue_indirect_dma source(%dma_start3A_288 : memref<32000x4096xf32, #tpu.memory_space<hbm>>) target(%arg10 : memref<4x4096xf32, #tpu.memory_space<vmem>>) offsets(%dma_start3A_285 : memref<4xi32, #tpu.memory_space<vmem>>) semaphore(%arg16 : memref<!tpu.dma_semaphore, #tpu.memory_space<semaphore_mem>>)
      %dma_wait3A_289 = arith.constant 0 : i32
      %dma_wait3A_290 = tpu.memref_slice %arg5[%add3A_270, %dma_wait3A_289] : memref<64x4xi32, #tpu.memory_space<vmem>> -> memref<1x4xi32, #tpu.memory_space<vmem>>
      %dma_wait3A_291 = tpu.memref_squeeze %dma_wait3A_290 : memref<1x4xi32, #tpu.memory_space<vmem>> -> memref<4xi32, #tpu.memory_space<vmem>>
      %dma_wait3A_292 = arith.constant 0 : i32
      %dma_wait3A_293 = arith.constant 0 : i32
      %dma_wait3A_294 = tpu.memref_slice %arg3[%dma_wait3A_292, %dma_wait3A_293] : memref<32000x4096xf32, #tpu.memory_space<hbm>> -> memref<32000x4096xf32, #tpu.memory_space<hbm>>
      tpu.wait_indirect_dma semaphore(%arg12 : memref<!tpu.dma_semaphore, #tpu.memory_space<semaphore_mem>>) src(%dma_wait3A_294 : memref<32000x4096xf32, #tpu.memory_space<hbm>>) dst(%arg6 : memref<4x4096xf32, #tpu.memory_space<vmem>>)
      %mul3A_295 = arith.constant 4 : i32
      %mul3A_296 = arith.muli %add3A_270, %mul3A_295 : i32
      %add3A_297 = arith.addi %mul3A_2, %mul3A_296 : i32
      %dma_start3A_298 = arith.constant 0 : i32
      %dma_start3A_299 = tpu.memref_slice %arg4[%add3A_297, %dma_start3A_298] : memref<8192x4096xf32, #tpu.memory_space<hbm>> -> memref<4x4096xf32, #tpu.memory_space<hbm>>
      %dma_start3A_300 = arith.constant 0 : i32
      %dma_start3A_301 = tpu.memref_slice %arg4[%add3A_297, %dma_start3A_300] : memref<8192x4096xf32, #tpu.memory_space<hbm>> -> memref<4x4096xf32, #tpu.memory_space<hbm>>
      tpu.enqueue_dma source(%arg6 : memref<4x4096xf32, #tpu.memory_space<vmem>>) target(%dma_start3A_301 : memref<4x4096xf32, #tpu.memory_space<hbm>>) target_semaphore(%arg18 : memref<!tpu.dma_semaphore, #tpu.memory_space<semaphore_mem>>)
      %add3A_302 = arith.constant 1 : i32
      %add3A_303 = arith.addi %mul3A_268, %add3A_302 : i32
      %add3A_304 = arith.constant 4 : i32
      %add3A_305 = arith.addi %add3A_303, %add3A_304 : i32
      %sub3A_306 = arith.constant 6 : i32
      %sub3A_307 = arith.subi %add3A_305, %sub3A_306 : i32
      %mul3A_308 = arith.constant 4 : i32
      %mul3A_309 = arith.muli %sub3A_307, %mul3A_308 : i32
      %add3A_310 = arith.addi %mul3A_2, %mul3A_309 : i32
      %dma_wait3A_311 = arith.constant 0 : i32
      %dma_wait3A_312 = tpu.memref_slice %arg4[%add3A_310, %dma_wait3A_311] : memref<8192x4096xf32, #tpu.memory_space<hbm>> -> memref<4x4096xf32, #tpu.memory_space<hbm>>
      %dma_wait3A_313 = arith.constant 0 : i32
      %dma_wait3A_314 = tpu.memref_slice %arg4[%add3A_310, %dma_wait3A_313] : memref<8192x4096xf32, #tpu.memory_space<hbm>> -> memref<4x4096xf32, #tpu.memory_space<hbm>>
      tpu.wait_dma2 semaphore(%arg23 : memref<!tpu.dma_semaphore, #tpu.memory_space<semaphore_mem>>) src(%arg11 : memref<4x4096xf32, #tpu.memory_space<vmem>>) dst(%dma_wait3A_314 : memref<4x4096xf32, #tpu.memory_space<hbm>>)
      %add3A_315 = arith.constant 4 : i32
      %add3A_316 = arith.addi %add3A_303, %add3A_315 : i32
      %dma_start3A_317 = arith.constant 0 : i32
      %dma_start3A_318 = tpu.memref_slice %arg5[%add3A_316, %dma_start3A_317] : memref<64x4xi32, #tpu.memory_space<vmem>> -> memref<1x4xi32, #tpu.memory_space<vmem>>
      %dma_start3A_319 = tpu.memref_squeeze %dma_start3A_318 : memref<1x4xi32, #tpu.memory_space<vmem>> -> memref<4xi32, #tpu.memory_space<vmem>>
      %dma_start3A_320 = arith.constant 0 : i32
      %dma_start3A_321 = arith.constant 0 : i32
      %dma_start3A_322 = tpu.memref_slice %arg3[%dma_start3A_320, %dma_start3A_321] : memref<32000x4096xf32, #tpu.memory_space<hbm>> -> memref<32000x4096xf32, #tpu.memory_space<hbm>>
      tpu.enqueue_indirect_dma source(%dma_start3A_322 : memref<32000x4096xf32, #tpu.memory_space<hbm>>) target(%arg11 : memref<4x4096xf32, #tpu.memory_space<vmem>>) offsets(%dma_start3A_319 : memref<4xi32, #tpu.memory_space<vmem>>) semaphore(%arg17 : memref<!tpu.dma_semaphore, #tpu.memory_space<semaphore_mem>>)
      %dma_wait3A_323 = arith.constant 0 : i32
      %dma_wait3A_324 = tpu.memref_slice %arg5[%add3A_303, %dma_wait3A_323] : memref<64x4xi32, #tpu.memory_space<vmem>> -> memref<1x4xi32, #tpu.memory_space<vmem>>
      %dma_wait3A_325 = tpu.memref_squeeze %dma_wait3A_324 : memref<1x4xi32, #tpu.memory_space<vmem>> -> memref<4xi32, #tpu.memory_space<vmem>>
      %dma_wait3A_326 = arith.constant 0 : i32
      %dma_wait3A_327 = arith.constant 0 : i32
      %dma_wait3A_328 = tpu.memref_slice %arg3[%dma_wait3A_326, %dma_wait3A_327] : memref<32000x4096xf32, #tpu.memory_space<hbm>> -> memref<32000x4096xf32, #tpu.memory_space<hbm>>
      tpu.wait_indirect_dma semaphore(%arg13 : memref<!tpu.dma_semaphore, #tpu.memory_space<semaphore_mem>>) src(%dma_wait3A_328 : memref<32000x4096xf32, #tpu.memory_space<hbm>>) dst(%arg7 : memref<4x4096xf32, #tpu.memory_space<vmem>>)
      %mul3A_329 = arith.constant 4 : i32
      %mul3A_330 = arith.muli %add3A_303, %mul3A_329 : i32
      %add3A_331 = arith.addi %mul3A_2, %mul3A_330 : i32
      %dma_start3A_332 = arith.constant 0 : i32
      %dma_start3A_333 = tpu.memref_slice %arg4[%add3A_331, %dma_start3A_332] : memref<8192x4096xf32, #tpu.memory_space<hbm>> -> memref<4x4096xf32, #tpu.memory_space<hbm>>
      %dma_start3A_334 = arith.constant 0 : i32
      %dma_start3A_335 = tpu.memref_slice %arg4[%add3A_331, %dma_start3A_334] : memref<8192x4096xf32, #tpu.memory_space<hbm>> -> memref<4x4096xf32, #tpu.memory_space<hbm>>
      tpu.enqueue_dma source(%arg7 : memref<4x4096xf32, #tpu.memory_space<vmem>>) target(%dma_start3A_335 : memref<4x4096xf32, #tpu.memory_space<hbm>>) target_semaphore(%arg19 : memref<!tpu.dma_semaphore, #tpu.memory_space<semaphore_mem>>)
      %add3A_336 = arith.constant 2 : i32
      %add3A_337 = arith.addi %mul3A_268, %add3A_336 : i32
      %add3A_338 = arith.constant 4 : i32
      %add3A_339 = arith.addi %add3A_337, %add3A_338 : i32
      %sub3A_340 = arith.constant 6 : i32
      %sub3A_341 = arith.subi %add3A_339, %sub3A_340 : i32
      %mul3A_342 = arith.constant 4 : i32
      %mul3A_343 = arith.muli %sub3A_341, %mul3A_342 : i32
      %add3A_344 = arith.addi %mul3A_2, %mul3A_343 : i32
      %dma_wait3A_345 = arith.constant 0 : i32
      %dma_wait3A_346 = tpu.memref_slice %arg4[%add3A_344, %dma_wait3A_345] : memref<8192x4096xf32, #tpu.memory_space<hbm>> -> memref<4x4096xf32, #tpu.memory_space<hbm>>
      %dma_wait3A_347 = arith.constant 0 : i32
      %dma_wait3A_348 = tpu.memref_slice %arg4[%add3A_344, %dma_wait3A_347] : memref<8192x4096xf32, #tpu.memory_space<hbm>> -> memref<4x4096xf32, #tpu.memory_space<hbm>>
      tpu.wait_dma2 semaphore(%arg18 : memref<!tpu.dma_semaphore, #tpu.memory_space<semaphore_mem>>) src(%arg6 : memref<4x4096xf32, #tpu.memory_space<vmem>>) dst(%dma_wait3A_348 : memref<4x4096xf32, #tpu.memory_space<hbm>>)
      %add3A_349 = arith.constant 4 : i32
      %add3A_350 = arith.addi %add3A_337, %add3A_349 : i32
      %dma_start3A_351 = arith.constant 0 : i32
      %dma_start3A_352 = tpu.memref_slice %arg5[%add3A_350, %dma_start3A_351] : memref<64x4xi32, #tpu.memory_space<vmem>> -> memref<1x4xi32, #tpu.memory_space<vmem>>
      %dma_start3A_353 = tpu.memref_squeeze %dma_start3A_352 : memref<1x4xi32, #tpu.memory_space<vmem>> -> memref<4xi32, #tpu.memory_space<vmem>>
      %dma_start3A_354 = arith.constant 0 : i32
      %dma_start3A_355 = arith.constant 0 : i32
      %dma_start3A_356 = tpu.memref_slice %arg3[%dma_start3A_354, %dma_start3A_355] : memref<32000x4096xf32, #tpu.memory_space<hbm>> -> memref<32000x4096xf32, #tpu.memory_space<hbm>>
      tpu.enqueue_indirect_dma source(%dma_start3A_356 : memref<32000x4096xf32, #tpu.memory_space<hbm>>) target(%arg6 : memref<4x4096xf32, #tpu.memory_space<vmem>>) offsets(%dma_start3A_353 : memref<4xi32, #tpu.memory_space<vmem>>) semaphore(%arg12 : memref<!tpu.dma_semaphore, #tpu.memory_space<semaphore_mem>>)
      %dma_wait3A_357 = arith.constant 0 : i32
      %dma_wait3A_358 = tpu.memref_slice %arg5[%add3A_337, %dma_wait3A_357] : memref<64x4xi32, #tpu.memory_space<vmem>> -> memref<1x4xi32, #tpu.memory_space<vmem>>
      %dma_wait3A_359 = tpu.memref_squeeze %dma_wait3A_358 : memref<1x4xi32, #tpu.memory_space<vmem>> -> memref<4xi32, #tpu.memory_space<vmem>>
      %dma_wait3A_360 = arith.constant 0 : i32
      %dma_wait3A_361 = arith.constant 0 : i32
      %dma_wait3A_362 = tpu.memref_slice %arg3[%dma_wait3A_360, %dma_wait3A_361] : memref<32000x4096xf32, #tpu.memory_space<hbm>> -> memref<32000x4096xf32, #tpu.memory_space<hbm>>
      tpu.wait_indirect_dma semaphore(%arg14 : memref<!tpu.dma_semaphore, #tpu.memory_space<semaphore_mem>>) src(%dma_wait3A_362 : memref<32000x4096xf32, #tpu.memory_space<hbm>>) dst(%arg8 : memref<4x4096xf32, #tpu.memory_space<vmem>>)
      %mul3A_363 = arith.constant 4 : i32
      %mul3A_364 = arith.muli %add3A_337, %mul3A_363 : i32
      %add3A_365 = arith.addi %mul3A_2, %mul3A_364 : i32
      %dma_start3A_366 = arith.constant 0 : i32
      %dma_start3A_367 = tpu.memref_slice %arg4[%add3A_365, %dma_start3A_366] : memref<8192x4096xf32, #tpu.memory_space<hbm>> -> memref<4x4096xf32, #tpu.memory_space<hbm>>
      %dma_start3A_368 = arith.constant 0 : i32
      %dma_start3A_369 = tpu.memref_slice %arg4[%add3A_365, %dma_start3A_368] : memref<8192x4096xf32, #tpu.memory_space<hbm>> -> memref<4x4096xf32, #tpu.memory_space<hbm>>
      tpu.enqueue_dma source(%arg8 : memref<4x4096xf32, #tpu.memory_space<vmem>>) target(%dma_start3A_369 : memref<4x4096xf32, #tpu.memory_space<hbm>>) target_semaphore(%arg20 : memref<!tpu.dma_semaphore, #tpu.memory_space<semaphore_mem>>)
      %add3A_370 = arith.constant 3 : i32
      %add3A_371 = arith.addi %mul3A_268, %add3A_370 : i32
      %add3A_372 = arith.constant 4 : i32
      %add3A_373 = arith.addi %add3A_371, %add3A_372 : i32
      %sub3A_374 = arith.constant 6 : i32
      %sub3A_375 = arith.subi %add3A_373, %sub3A_374 : i32
      %mul3A_376 = arith.constant 4 : i32
      %mul3A_377 = arith.muli %sub3A_375, %mul3A_376 : i32
      %add3A_378 = arith.addi %mul3A_2, %mul3A_377 : i32
      %dma_wait3A_379 = arith.constant 0 : i32
      %dma_wait3A_380 = tpu.memref_slice %arg4[%add3A_378, %dma_wait3A_379] : memref<8192x4096xf32, #tpu.memory_space<hbm>> -> memref<4x4096xf32, #tpu.memory_space<hbm>>
      %dma_wait3A_381 = arith.constant 0 : i32
      %dma_wait3A_382 = tpu.memref_slice %arg4[%add3A_378, %dma_wait3A_381] : memref<8192x4096xf32, #tpu.memory_space<hbm>> -> memref<4x4096xf32, #tpu.memory_space<hbm>>
      tpu.wait_dma2 semaphore(%arg19 : memref<!tpu.dma_semaphore, #tpu.memory_space<semaphore_mem>>) src(%arg7 : memref<4x4096xf32, #tpu.memory_space<vmem>>) dst(%dma_wait3A_382 : memref<4x4096xf32, #tpu.memory_space<hbm>>)
      %add3A_383 = arith.constant 4 : i32
      %add3A_384 = arith.addi %add3A_371, %add3A_383 : i32
      %dma_start3A_385 = arith.constant 0 : i32
      %dma_start3A_386 = tpu.memref_slice %arg5[%add3A_384, %dma_start3A_385] : memref<64x4xi32, #tpu.memory_space<vmem>> -> memref<1x4xi32, #tpu.memory_space<vmem>>
      %dma_start3A_387 = tpu.memref_squeeze %dma_start3A_386 : memref<1x4xi32, #tpu.memory_space<vmem>> -> memref<4xi32, #tpu.memory_space<vmem>>
      %dma_start3A_388 = arith.constant 0 : i32
      %dma_start3A_389 = arith.constant 0 : i32
      %dma_start3A_390 = tpu.memref_slice %arg3[%dma_start3A_388, %dma_start3A_389] : memref<32000x4096xf32, #tpu.memory_space<hbm>> -> memref<32000x4096xf32, #tpu.memory_space<hbm>>
      tpu.enqueue_indirect_dma source(%dma_start3A_390 : memref<32000x4096xf32, #tpu.memory_space<hbm>>) target(%arg7 : memref<4x4096xf32, #tpu.memory_space<vmem>>) offsets(%dma_start3A_387 : memref<4xi32, #tpu.memory_space<vmem>>) semaphore(%arg13 : memref<!tpu.dma_semaphore, #tpu.memory_space<semaphore_mem>>)
      %dma_wait3A_391 = arith.constant 0 : i32
      %dma_wait3A_392 = tpu.memref_slice %arg5[%add3A_371, %dma_wait3A_391] : memref<64x4xi32, #tpu.memory_space<vmem>> -> memref<1x4xi32, #tpu.memory_space<vmem>>
      %dma_wait3A_393 = tpu.memref_squeeze %dma_wait3A_392 : memref<1x4xi32, #tpu.memory_space<vmem>> -> memref<4xi32, #tpu.memory_space<vmem>>
      %dma_wait3A_394 = arith.constant 0 : i32
      %dma_wait3A_395 = arith.constant 0 : i32
      %dma_wait3A_396 = tpu.memref_slice %arg3[%dma_wait3A_394, %dma_wait3A_395] : memref<32000x4096xf32, #tpu.memory_space<hbm>> -> memref<32000x4096xf32, #tpu.memory_space<hbm>>
      tpu.wait_indirect_dma semaphore(%arg15 : memref<!tpu.dma_semaphore, #tpu.memory_space<semaphore_mem>>) src(%dma_wait3A_396 : memref<32000x4096xf32, #tpu.memory_space<hbm>>) dst(%arg9 : memref<4x4096xf32, #tpu.memory_space<vmem>>)
      %mul3A_397 = arith.constant 4 : i32
      %mul3A_398 = arith.muli %add3A_371, %mul3A_397 : i32
      %add3A_399 = arith.addi %mul3A_2, %mul3A_398 : i32
      %dma_start3A_400 = arith.constant 0 : i32
      %dma_start3A_401 = tpu.memref_slice %arg4[%add3A_399, %dma_start3A_400] : memref<8192x4096xf32, #tpu.memory_space<hbm>> -> memref<4x4096xf32, #tpu.memory_space<hbm>>
      %dma_start3A_402 = arith.constant 0 : i32
      %dma_start3A_403 = tpu.memref_slice %arg4[%add3A_399, %dma_start3A_402] : memref<8192x4096xf32, #tpu.memory_space<hbm>> -> memref<4x4096xf32, #tpu.memory_space<hbm>>
      tpu.enqueue_dma source(%arg9 : memref<4x4096xf32, #tpu.memory_space<vmem>>) target(%dma_start3A_403 : memref<4x4096xf32, #tpu.memory_space<hbm>>) target_semaphore(%arg21 : memref<!tpu.dma_semaphore, #tpu.memory_space<semaphore_mem>>)
      %add3A_404 = arith.constant 4 : i32
      %add3A_405 = arith.addi %mul3A_268, %add3A_404 : i32
      %add3A_406 = arith.constant 4 : i32
      %add3A_407 = arith.addi %add3A_405, %add3A_406 : i32
      %sub3A_408 = arith.constant 6 : i32
      %sub3A_409 = arith.subi %add3A_407, %sub3A_408 : i32
      %mul3A_410 = arith.constant 4 : i32
      %mul3A_411 = arith.muli %sub3A_409, %mul3A_410 : i32
      %add3A_412 = arith.addi %mul3A_2, %mul3A_411 : i32
      %dma_wait3A_413 = arith.constant 0 : i32
      %dma_wait3A_414 = tpu.memref_slice %arg4[%add3A_412, %dma_wait3A_413] : memref<8192x4096xf32, #tpu.memory_space<hbm>> -> memref<4x4096xf32, #tpu.memory_space<hbm>>
      %dma_wait3A_415 = arith.constant 0 : i32
      %dma_wait3A_416 = tpu.memref_slice %arg4[%add3A_412, %dma_wait3A_415] : memref<8192x4096xf32, #tpu.memory_space<hbm>> -> memref<4x4096xf32, #tpu.memory_space<hbm>>
      tpu.wait_dma2 semaphore(%arg20 : memref<!tpu.dma_semaphore, #tpu.memory_space<semaphore_mem>>) src(%arg8 : memref<4x4096xf32, #tpu.memory_space<vmem>>) dst(%dma_wait3A_416 : memref<4x4096xf32, #tpu.memory_space<hbm>>)
      %add3A_417 = arith.constant 4 : i32
      %add3A_418 = arith.addi %add3A_405, %add3A_417 : i32
      %dma_start3A_419 = arith.constant 0 : i32
      %dma_start3A_420 = tpu.memref_slice %arg5[%add3A_418, %dma_start3A_419] : memref<64x4xi32, #tpu.memory_space<vmem>> -> memref<1x4xi32, #tpu.memory_space<vmem>>
      %dma_start3A_421 = tpu.memref_squeeze %dma_start3A_420 : memref<1x4xi32, #tpu.memory_space<vmem>> -> memref<4xi32, #tpu.memory_space<vmem>>
      %dma_start3A_422 = arith.constant 0 : i32
      %dma_start3A_423 = arith.constant 0 : i32
      %dma_start3A_424 = tpu.memref_slice %arg3[%dma_start3A_422, %dma_start3A_423] : memref<32000x4096xf32, #tpu.memory_space<hbm>> -> memref<32000x4096xf32, #tpu.memory_space<hbm>>
      tpu.enqueue_indirect_dma source(%dma_start3A_424 : memref<32000x4096xf32, #tpu.memory_space<hbm>>) target(%arg8 : memref<4x4096xf32, #tpu.memory_space<vmem>>) offsets(%dma_start3A_421 : memref<4xi32, #tpu.memory_space<vmem>>) semaphore(%arg14 : memref<!tpu.dma_semaphore, #tpu.memory_space<semaphore_mem>>)
      %dma_wait3A_425 = arith.constant 0 : i32
      %dma_wait3A_426 = tpu.memref_slice %arg5[%add3A_405, %dma_wait3A_425] : memref<64x4xi32, #tpu.memory_space<vmem>> -> memref<1x4xi32, #tpu.memory_space<vmem>>
      %dma_wait3A_427 = tpu.memref_squeeze %dma_wait3A_426 : memref<1x4xi32, #tpu.memory_space<vmem>> -> memref<4xi32, #tpu.memory_space<vmem>>
      %dma_wait3A_428 = arith.constant 0 : i32
      %dma_wait3A_429 = arith.constant 0 : i32
      %dma_wait3A_430 = tpu.memref_slice %arg3[%dma_wait3A_428, %dma_wait3A_429] : memref<32000x4096xf32, #tpu.memory_space<hbm>> -> memref<32000x4096xf32, #tpu.memory_space<hbm>>
      tpu.wait_indirect_dma semaphore(%arg16 : memref<!tpu.dma_semaphore, #tpu.memory_space<semaphore_mem>>) src(%dma_wait3A_430 : memref<32000x4096xf32, #tpu.memory_space<hbm>>) dst(%arg10 : memref<4x4096xf32, #tpu.memory_space<vmem>>)
      %mul3A_431 = arith.constant 4 : i32
      %mul3A_432 = arith.muli %add3A_405, %mul3A_431 : i32
      %add3A_433 = arith.addi %mul3A_2, %mul3A_432 : i32
      %dma_start3A_434 = arith.constant 0 : i32
      %dma_start3A_435 = tpu.memref_slice %arg4[%add3A_433, %dma_start3A_434] : memref<8192x4096xf32, #tpu.memory_space<hbm>> -> memref<4x4096xf32, #tpu.memory_space<hbm>>
      %dma_start3A_436 = arith.constant 0 : i32
      %dma_start3A_437 = tpu.memref_slice %arg4[%add3A_433, %dma_start3A_436] : memref<8192x4096xf32, #tpu.memory_space<hbm>> -> memref<4x4096xf32, #tpu.memory_space<hbm>>
      tpu.enqueue_dma source(%arg10 : memref<4x4096xf32, #tpu.memory_space<vmem>>) target(%dma_start3A_437 : memref<4x4096xf32, #tpu.memory_space<hbm>>) target_semaphore(%arg22 : memref<!tpu.dma_semaphore, #tpu.memory_space<semaphore_mem>>)
      %add3A_438 = arith.constant 5 : i32
      %add3A_439 = arith.addi %mul3A_268, %add3A_438 : i32
      %add3A_440 = arith.constant 4 : i32
      %add3A_441 = arith.addi %add3A_439, %add3A_440 : i32
      %sub3A_442 = arith.constant 6 : i32
      %sub3A_443 = arith.subi %add3A_441, %sub3A_442 : i32
      %mul3A_444 = arith.constant 4 : i32
      %mul3A_445 = arith.muli %sub3A_443, %mul3A_444 : i32
      %add3A_446 = arith.addi %mul3A_2, %mul3A_445 : i32
      %dma_wait3A_447 = arith.constant 0 : i32
      %dma_wait3A_448 = tpu.memref_slice %arg4[%add3A_446, %dma_wait3A_447] : memref<8192x4096xf32, #tpu.memory_space<hbm>> -> memref<4x4096xf32, #tpu.memory_space<hbm>>
      %dma_wait3A_449 = arith.constant 0 : i32
      %dma_wait3A_450 = tpu.memref_slice %arg4[%add3A_446, %dma_wait3A_449] : memref<8192x4096xf32, #tpu.memory_space<hbm>> -> memref<4x4096xf32, #tpu.memory_space<hbm>>
      tpu.wait_dma2 semaphore(%arg21 : memref<!tpu.dma_semaphore, #tpu.memory_space<semaphore_mem>>) src(%arg9 : memref<4x4096xf32, #tpu.memory_space<vmem>>) dst(%dma_wait3A_450 : memref<4x4096xf32, #tpu.memory_space<hbm>>)
      %add3A_451 = arith.constant 4 : i32
      %add3A_452 = arith.addi %add3A_439, %add3A_451 : i32
      %dma_start3A_453 = arith.constant 0 : i32
      %dma_start3A_454 = tpu.memref_slice %arg5[%add3A_452, %dma_start3A_453] : memref<64x4xi32, #tpu.memory_space<vmem>> -> memref<1x4xi32, #tpu.memory_space<vmem>>
      %dma_start3A_455 = tpu.memref_squeeze %dma_start3A_454 : memref<1x4xi32, #tpu.memory_space<vmem>> -> memref<4xi32, #tpu.memory_space<vmem>>
      %dma_start3A_456 = arith.constant 0 : i32
      %dma_start3A_457 = arith.constant 0 : i32
      %dma_start3A_458 = tpu.memref_slice %arg3[%dma_start3A_456, %dma_start3A_457] : memref<32000x4096xf32, #tpu.memory_space<hbm>> -> memref<32000x4096xf32, #tpu.memory_space<hbm>>
      tpu.enqueue_indirect_dma source(%dma_start3A_458 : memref<32000x4096xf32, #tpu.memory_space<hbm>>) target(%arg9 : memref<4x4096xf32, #tpu.memory_space<vmem>>) offsets(%dma_start3A_455 : memref<4xi32, #tpu.memory_space<vmem>>) semaphore(%arg15 : memref<!tpu.dma_semaphore, #tpu.memory_space<semaphore_mem>>)
      %dma_wait3A_459 = arith.constant 0 : i32
      %dma_wait3A_460 = tpu.memref_slice %arg5[%add3A_439, %dma_wait3A_459] : memref<64x4xi32, #tpu.memory_space<vmem>> -> memref<1x4xi32, #tpu.memory_space<vmem>>
      %dma_wait3A_461 = tpu.memref_squeeze %dma_wait3A_460 : memref<1x4xi32, #tpu.memory_space<vmem>> -> memref<4xi32, #tpu.memory_space<vmem>>
      %dma_wait3A_462 = arith.constant 0 : i32
      %dma_wait3A_463 = arith.constant 0 : i32
      %dma_wait3A_464 = tpu.memref_slice %arg3[%dma_wait3A_462, %dma_wait3A_463] : memref<32000x4096xf32, #tpu.memory_space<hbm>> -> memref<32000x4096xf32, #tpu.memory_space<hbm>>
      tpu.wait_indirect_dma semaphore(%arg17 : memref<!tpu.dma_semaphore, #tpu.memory_space<semaphore_mem>>) src(%dma_wait3A_464 : memref<32000x4096xf32, #tpu.memory_space<hbm>>) dst(%arg11 : memref<4x4096xf32, #tpu.memory_space<vmem>>)
      %mul3A_465 = arith.constant 4 : i32
      %mul3A_466 = arith.muli %add3A_439, %mul3A_465 : i32
      %add3A_467 = arith.addi %mul3A_2, %mul3A_466 : i32
      %dma_start3A_468 = arith.constant 0 : i32
      %dma_start3A_469 = tpu.memref_slice %arg4[%add3A_467, %dma_start3A_468] : memref<8192x4096xf32, #tpu.memory_space<hbm>> -> memref<4x4096xf32, #tpu.memory_space<hbm>>
      %dma_start3A_470 = arith.constant 0 : i32
      %dma_start3A_471 = tpu.memref_slice %arg4[%add3A_467, %dma_start3A_470] : memref<8192x4096xf32, #tpu.memory_space<hbm>> -> memref<4x4096xf32, #tpu.memory_space<hbm>>
      tpu.enqueue_dma source(%arg11 : memref<4x4096xf32, #tpu.memory_space<vmem>>) target(%dma_start3A_471 : memref<4x4096xf32, #tpu.memory_space<hbm>>) target_semaphore(%arg23 : memref<!tpu.dma_semaphore, #tpu.memory_space<semaphore_mem>>)
    }
    %scan3A_177 = arith.constant 9 : i32
    %add3A_178 = arith.constant 232 : i32
    %add3A_179 = arith.addi %mul3A_2, %add3A_178 : i32
    %dma_wait3A_180 = arith.constant 0 : i32
    %dma_wait3A_181 = tpu.memref_slice %arg4[%add3A_179, %dma_wait3A_180] : memref<8192x4096xf32, #tpu.memory_space<hbm>> -> memref<4x4096xf32, #tpu.memory_space<hbm>>
    %dma_wait3A_182 = arith.constant 0 : i32
    %dma_wait3A_183 = tpu.memref_slice %arg4[%add3A_179, %dma_wait3A_182] : memref<8192x4096xf32, #tpu.memory_space<hbm>> -> memref<4x4096xf32, #tpu.memory_space<hbm>>
    tpu.wait_dma2 semaphore(%arg22 : memref<!tpu.dma_semaphore, #tpu.memory_space<semaphore_mem>>) src(%arg10 : memref<4x4096xf32, #tpu.memory_space<vmem>>) dst(%dma_wait3A_183 : memref<4x4096xf32, #tpu.memory_space<hbm>>)
    %dma_wait3A_184 = arith.constant 60 : i32
    %dma_wait3A_185 = arith.constant 0 : i32
    %dma_wait3A_186 = tpu.memref_slice %arg5[%dma_wait3A_184, %dma_wait3A_185] : memref<64x4xi32, #tpu.memory_space<vmem>> -> memref<1x4xi32, #tpu.memory_space<vmem>>
    %dma_wait3A_187 = tpu.memref_squeeze %dma_wait3A_186 : memref<1x4xi32, #tpu.memory_space<vmem>> -> memref<4xi32, #tpu.memory_space<vmem>>
    %dma_wait3A_188 = arith.constant 0 : i32
    %dma_wait3A_189 = arith.constant 0 : i32
    %dma_wait3A_190 = tpu.memref_slice %arg3[%dma_wait3A_188, %dma_wait3A_189] : memref<32000x4096xf32, #tpu.memory_space<hbm>> -> memref<32000x4096xf32, #tpu.memory_space<hbm>>
    tpu.wait_indirect_dma semaphore(%arg12 : memref<!tpu.dma_semaphore, #tpu.memory_space<semaphore_mem>>) src(%dma_wait3A_190 : memref<32000x4096xf32, #tpu.memory_space<hbm>>) dst(%arg6 : memref<4x4096xf32, #tpu.memory_space<vmem>>)
    %add3A_191 = arith.constant 240 : i32
    %add3A_192 = arith.addi %mul3A_2, %add3A_191 : i32
    %dma_start3A_193 = arith.constant 0 : i32
    %dma_start3A_194 = tpu.memref_slice %arg4[%add3A_192, %dma_start3A_193] : memref<8192x4096xf32, #tpu.memory_space<hbm>> -> memref<4x4096xf32, #tpu.memory_space<hbm>>
    %dma_start3A_195 = arith.constant 0 : i32
    %dma_start3A_196 = tpu.memref_slice %arg4[%add3A_192, %dma_start3A_195] : memref<8192x4096xf32, #tpu.memory_space<hbm>> -> memref<4x4096xf32, #tpu.memory_space<hbm>>
    tpu.enqueue_dma source(%arg6 : memref<4x4096xf32, #tpu.memory_space<vmem>>) target(%dma_start3A_196 : memref<4x4096xf32, #tpu.memory_space<hbm>>) target_semaphore(%arg18 : memref<!tpu.dma_semaphore, #tpu.memory_space<semaphore_mem>>)
    %add3A_197 = arith.constant 236 : i32
    %add3A_198 = arith.addi %mul3A_2, %add3A_197 : i32
    %dma_wait3A_199 = arith.constant 0 : i32
    %dma_wait3A_200 = tpu.memref_slice %arg4[%add3A_198, %dma_wait3A_199] : memref<8192x4096xf32, #tpu.memory_space<hbm>> -> memref<4x4096xf32, #tpu.memory_space<hbm>>
    %dma_wait3A_201 = arith.constant 0 : i32
    %dma_wait3A_202 = tpu.memref_slice %arg4[%add3A_198, %dma_wait3A_201] : memref<8192x4096xf32, #tpu.memory_space<hbm>> -> memref<4x4096xf32, #tpu.memory_space<hbm>>
    tpu.wait_dma2 semaphore(%arg23 : memref<!tpu.dma_semaphore, #tpu.memory_space<semaphore_mem>>) src(%arg11 : memref<4x4096xf32, #tpu.memory_space<vmem>>) dst(%dma_wait3A_202 : memref<4x4096xf32, #tpu.memory_space<hbm>>)
    %dma_wait3A_203 = arith.constant 61 : i32
    %dma_wait3A_204 = arith.constant 0 : i32
    %dma_wait3A_205 = tpu.memref_slice %arg5[%dma_wait3A_203, %dma_wait3A_204] : memref<64x4xi32, #tpu.memory_space<vmem>> -> memref<1x4xi32, #tpu.memory_space<vmem>>
    %dma_wait3A_206 = tpu.memref_squeeze %dma_wait3A_205 : memref<1x4xi32, #tpu.memory_space<vmem>> -> memref<4xi32, #tpu.memory_space<vmem>>
    %dma_wait3A_207 = arith.constant 0 : i32
    %dma_wait3A_208 = arith.constant 0 : i32
    %dma_wait3A_209 = tpu.memref_slice %arg3[%dma_wait3A_207, %dma_wait3A_208] : memref<32000x4096xf32, #tpu.memory_space<hbm>> -> memref<32000x4096xf32, #tpu.memory_space<hbm>>
    tpu.wait_indirect_dma semaphore(%arg13 : memref<!tpu.dma_semaphore, #tpu.memory_space<semaphore_mem>>) src(%dma_wait3A_209 : memref<32000x4096xf32, #tpu.memory_space<hbm>>) dst(%arg7 : memref<4x4096xf32, #tpu.memory_space<vmem>>)
    %add3A_210 = arith.constant 244 : i32
    %add3A_211 = arith.addi %mul3A_2, %add3A_210 : i32
    %dma_start3A_212 = arith.constant 0 : i32
    %dma_start3A_213 = tpu.memref_slice %arg4[%add3A_211, %dma_start3A_212] : memref<8192x4096xf32, #tpu.memory_space<hbm>> -> memref<4x4096xf32, #tpu.memory_space<hbm>>
    %dma_start3A_214 = arith.constant 0 : i32
    %dma_start3A_215 = tpu.memref_slice %arg4[%add3A_211, %dma_start3A_214] : memref<8192x4096xf32, #tpu.memory_space<hbm>> -> memref<4x4096xf32, #tpu.memory_space<hbm>>
    tpu.enqueue_dma source(%arg7 : memref<4x4096xf32, #tpu.memory_space<vmem>>) target(%dma_start3A_215 : memref<4x4096xf32, #tpu.memory_space<hbm>>) target_semaphore(%arg19 : memref<!tpu.dma_semaphore, #tpu.memory_space<semaphore_mem>>)
    %add3A_216 = arith.constant 240 : i32
    %add3A_217 = arith.addi %mul3A_2, %add3A_216 : i32
    %dma_wait3A_218 = arith.constant 0 : i32
    %dma_wait3A_219 = tpu.memref_slice %arg4[%add3A_217, %dma_wait3A_218] : memref<8192x4096xf32, #tpu.memory_space<hbm>> -> memref<4x4096xf32, #tpu.memory_space<hbm>>
    %dma_wait3A_220 = arith.constant 0 : i32
    %dma_wait3A_221 = tpu.memref_slice %arg4[%add3A_217, %dma_wait3A_220] : memref<8192x4096xf32, #tpu.memory_space<hbm>> -> memref<4x4096xf32, #tpu.memory_space<hbm>>
    tpu.wait_dma2 semaphore(%arg18 : memref<!tpu.dma_semaphore, #tpu.memory_space<semaphore_mem>>) src(%arg6 : memref<4x4096xf32, #tpu.memory_space<vmem>>) dst(%dma_wait3A_221 : memref<4x4096xf32, #tpu.memory_space<hbm>>)
    %dma_wait3A_222 = arith.constant 62 : i32
    %dma_wait3A_223 = arith.constant 0 : i32
    %dma_wait3A_224 = tpu.memref_slice %arg5[%dma_wait3A_222, %dma_wait3A_223] : memref<64x4xi32, #tpu.memory_space<vmem>> -> memref<1x4xi32, #tpu.memory_space<vmem>>
    %dma_wait3A_225 = tpu.memref_squeeze %dma_wait3A_224 : memref<1x4xi32, #tpu.memory_space<vmem>> -> memref<4xi32, #tpu.memory_space<vmem>>
    %dma_wait3A_226 = arith.constant 0 : i32
    %dma_wait3A_227 = arith.constant 0 : i32
    %dma_wait3A_228 = tpu.memref_slice %arg3[%dma_wait3A_226, %dma_wait3A_227] : memref<32000x4096xf32, #tpu.memory_space<hbm>> -> memref<32000x4096xf32, #tpu.memory_space<hbm>>
    tpu.wait_indirect_dma semaphore(%arg14 : memref<!tpu.dma_semaphore, #tpu.memory_space<semaphore_mem>>) src(%dma_wait3A_228 : memref<32000x4096xf32, #tpu.memory_space<hbm>>) dst(%arg8 : memref<4x4096xf32, #tpu.memory_space<vmem>>)
    %add3A_229 = arith.constant 248 : i32
    %add3A_230 = arith.addi %mul3A_2, %add3A_229 : i32
    %dma_start3A_231 = arith.constant 0 : i32
    %dma_start3A_232 = tpu.memref_slice %arg4[%add3A_230, %dma_start3A_231] : memref<8192x4096xf32, #tpu.memory_space<hbm>> -> memref<4x4096xf32, #tpu.memory_space<hbm>>
    %dma_start3A_233 = arith.constant 0 : i32
    %dma_start3A_234 = tpu.memref_slice %arg4[%add3A_230, %dma_start3A_233] : memref<8192x4096xf32, #tpu.memory_space<hbm>> -> memref<4x4096xf32, #tpu.memory_space<hbm>>
    tpu.enqueue_dma source(%arg8 : memref<4x4096xf32, #tpu.memory_space<vmem>>) target(%dma_start3A_234 : memref<4x4096xf32, #tpu.memory_space<hbm>>) target_semaphore(%arg20 : memref<!tpu.dma_semaphore, #tpu.memory_space<semaphore_mem>>)
    %add3A_235 = arith.constant 244 : i32
    %add3A_236 = arith.addi %mul3A_2, %add3A_235 : i32
    %dma_wait3A_237 = arith.constant 0 : i32
    %dma_wait3A_238 = tpu.memref_slice %arg4[%add3A_236, %dma_wait3A_237] : memref<8192x4096xf32, #tpu.memory_space<hbm>> -> memref<4x4096xf32, #tpu.memory_space<hbm>>
    %dma_wait3A_239 = arith.constant 0 : i32
    %dma_wait3A_240 = tpu.memref_slice %arg4[%add3A_236, %dma_wait3A_239] : memref<8192x4096xf32, #tpu.memory_space<hbm>> -> memref<4x4096xf32, #tpu.memory_space<hbm>>
    tpu.wait_dma2 semaphore(%arg19 : memref<!tpu.dma_semaphore, #tpu.memory_space<semaphore_mem>>) src(%arg7 : memref<4x4096xf32, #tpu.memory_space<vmem>>) dst(%dma_wait3A_240 : memref<4x4096xf32, #tpu.memory_space<hbm>>)
    %dma_wait3A_241 = arith.constant 63 : i32
    %dma_wait3A_242 = arith.constant 0 : i32
    %dma_wait3A_243 = tpu.memref_slice %arg5[%dma_wait3A_241, %dma_wait3A_242] : memref<64x4xi32, #tpu.memory_space<vmem>> -> memref<1x4xi32, #tpu.memory_space<vmem>>
    %dma_wait3A_244 = tpu.memref_squeeze %dma_wait3A_243 : memref<1x4xi32, #tpu.memory_space<vmem>> -> memref<4xi32, #tpu.memory_space<vmem>>
    %dma_wait3A_245 = arith.constant 0 : i32
    %dma_wait3A_246 = arith.constant 0 : i32
    %dma_wait3A_247 = tpu.memref_slice %arg3[%dma_wait3A_245, %dma_wait3A_246] : memref<32000x4096xf32, #tpu.memory_space<hbm>> -> memref<32000x4096xf32, #tpu.memory_space<hbm>>
    tpu.wait_indirect_dma semaphore(%arg15 : memref<!tpu.dma_semaphore, #tpu.memory_space<semaphore_mem>>) src(%dma_wait3A_247 : memref<32000x4096xf32, #tpu.memory_space<hbm>>) dst(%arg9 : memref<4x4096xf32, #tpu.memory_space<vmem>>)
    %add3A_248 = arith.constant 252 : i32
    %add3A_249 = arith.addi %mul3A_2, %add3A_248 : i32
    %dma_start3A_250 = arith.constant 0 : i32
    %dma_start3A_251 = tpu.memref_slice %arg4[%add3A_249, %dma_start3A_250] : memref<8192x4096xf32, #tpu.memory_space<hbm>> -> memref<4x4096xf32, #tpu.memory_space<hbm>>
    %dma_start3A_252 = arith.constant 0 : i32
    %dma_start3A_253 = tpu.memref_slice %arg4[%add3A_249, %dma_start3A_252] : memref<8192x4096xf32, #tpu.memory_space<hbm>> -> memref<4x4096xf32, #tpu.memory_space<hbm>>
    tpu.enqueue_dma source(%arg9 : memref<4x4096xf32, #tpu.memory_space<vmem>>) target(%dma_start3A_253 : memref<4x4096xf32, #tpu.memory_space<hbm>>) target_semaphore(%arg21 : memref<!tpu.dma_semaphore, #tpu.memory_space<semaphore_mem>>)
    %add3A_254 = arith.constant 248 : i32
    %add3A_255 = arith.addi %mul3A_2, %add3A_254 : i32
    %dma_wait3A_256 = arith.constant 0 : i32
    %dma_wait3A_257 = tpu.memref_slice %arg4[%add3A_255, %dma_wait3A_256] : memref<8192x4096xf32, #tpu.memory_space<hbm>> -> memref<4x4096xf32, #tpu.memory_space<hbm>>
    %dma_wait3A_258 = arith.constant 0 : i32
    %dma_wait3A_259 = tpu.memref_slice %arg4[%add3A_255, %dma_wait3A_258] : memref<8192x4096xf32, #tpu.memory_space<hbm>> -> memref<4x4096xf32, #tpu.memory_space<hbm>>
    tpu.wait_dma2 semaphore(%arg20 : memref<!tpu.dma_semaphore, #tpu.memory_space<semaphore_mem>>) src(%arg8 : memref<4x4096xf32, #tpu.memory_space<vmem>>) dst(%dma_wait3A_259 : memref<4x4096xf32, #tpu.memory_space<hbm>>)
    %add3A_260 = arith.constant 252 : i32
    %add3A_261 = arith.addi %mul3A_2, %add3A_260 : i32
    %dma_wait3A_262 = arith.constant 0 : i32
    %dma_wait3A_263 = tpu.memref_slice %arg4[%add3A_261, %dma_wait3A_262] : memref<8192x4096xf32, #tpu.memory_space<hbm>> -> memref<4x4096xf32, #tpu.memory_space<hbm>>
    %dma_wait3A_264 = arith.constant 0 : i32
    %dma_wait3A_265 = tpu.memref_slice %arg4[%add3A_261, %dma_wait3A_264] : memref<8192x4096xf32, #tpu.memory_space<hbm>> -> memref<4x4096xf32, #tpu.memory_space<hbm>>
    tpu.wait_dma2 semaphore(%arg21 : memref<!tpu.dma_semaphore, #tpu.memory_space<semaphore_mem>>) src(%arg9 : memref<4x4096xf32, #tpu.memory_space<vmem>>) dst(%dma_wait3A_265 : memref<4x4096xf32, #tpu.memory_space<hbm>>)
    return
  }
}

</mosaic_0001>

<sc_bundles>
// kernel: kernel.3.cloned.1.call-start
scs
__scs_entry_jumppad:
0x0: {  	(pc) =	sbr.rel $0x88, $3  }
0x1: {  	(tag) =	ssettag $0x0;
	lr =	simm.s32 $0x1  }
0x2: {  	[smem:$0x3F9F] =	sst lr;
	_ =	strace $0xD0000000  }
0x3: {  	_ = 	snop  }
0x4: {  	_ = 	snop  }
0x5: {  	_ = 	snop  }
0x6: {  	_ = 	snop  }
0x7: {  	_ = 	snop  }
__scs_overlays_trampoline_lowered:
0x8: {  	[smem:$0x3FAE] =	sst s0  }
0x9: {  	[smem:$0x3FAF] =	sst s1  }
0xa: {  	[smem:$0x3FB0] =	sst s2  }
0xb: {  	[smem:$0x3FB1] =	sst s3  }
0xc: {  	[smem:$0x3FB2] =	sst s4  }
0xd: {  	[smem:$0x3FB3] =	sst s5  }
0xe: {  	[smem:$0x3FB4] =	sst s6  }
0xf: {  	[smem:$0x3FB5] =	sst s7  }
0x10: {  	[smem:$0x3FB6] =	sst s8  }
0x11: {  	[smem:$0x3FB7] =	sst s9;
	s0 =	simm.s32 @!p0 $0x0  }
0x12: {  	s1 =	sld [smem:$0x3F9D];
	s0 =	simm.s32 @p0 $0x1  }
0x13: {  	[smem:$0x3FB8] =	sst s0;
	s0 =	simm.s32 @!p1 $0x0  }
0x14: {  	s2 =	sld [smem:$0x3F9C];
	s0 =	simm.s32 @p1 $0x1  }
0x15: {  	[smem:$0x3FB9] =	sst s0;
	s0 =	simm.s32 @!p2 $0x0  }
0x16: {  	s3 =	sld [smem:$0x3FDB];
	s0 =	simm.s32 @p2 $0x1  }
0x17: {  	s4 =	simm.s32 $0x1BF5;
	[smem:$0x3FBB] =	sst s0  }
0x18: {  	s0 =	sld [smem:$0x3F9E];
	_ =	swait.ge [sflag:s4], $0x0  }
0x19: {  	s7 =	sld [smem:$0x3F9F]  }
0x1a: {  	s8 =	sadd.s32 $0xFFFFE003, lr  }
0x1b: {  	s9 =	sadd.s32 $0xFFFFFEF7, lr;
	s5 =	simm.s32 $0xFFFFFFFF;
	p2 =	slt.u32 s8, $0xFFFFF086  }
0x1c: {  	p1 =	slt.u32 s9, $0xF7A;
	s5 =	simm.s32 @!p2 $0x0  }
0x1d: {  	s5 =	simm.s32 @p1 $0x1;
	p0 =	seq.s32 s7, s2  }
0x1e: {  	s7 =	smul.u32 @!p0 $0xF7A, s2;
	p2 =	seq.s32 @!p0 s5, $0x0  }
0x1f: {  	s9 =	smul.u32 $0xF7A, s1;
	s8 =	simm.s32 @!p0 $0x1BF5;
	p2 =	por !p2, p0  }
0x20: {  	[sflag:s8] =	ssyncset.s32 @!p0 $0xFFFFF086;
	s6 =	sadd.s32 @!p0 s3, s7;
	s7 =	simm.s32 @!p0 $0x108  }
0x21: {  	s3 =	sadd.s32 s3, s9;
	s6 =	sadd.s32 @!p0 $0x88, s6;
	s7 =	simm.s32 @p2 $0x1082  }
0x22: {  	[simem:s7], [sflag:s8] =	dma.local @!p0 [hbm:s6], $0xF7A  }
0x23: {  	s9 =	sor.u32 $0xD0000000, s2;
	s6 =	simm.s32 $0x108;
	_ =	swait.ge @!p0 [sflag:s8], $0x0  }
0x24: {  	s3 =	sadd.s32 $0x88, s3;
	s6 =	simm.s32 @!p1 $0x1082;
	[sflag:s4] =	ssyncset.s32 $0xFFFFF086  }
0x25: {  	[simem:s6], [sflag:s4] =	dma.local [hbm:s3], $0xF7A  }
0x26: {  	[smem:$0x3F9F] =	sst s1;
	(tag) =	ssettag s2;
	_ =	strace s9  }
0x27: {  	s1 =	sld [smem:$0x3FAF]  }
0x28: {  	s2 =	sld [smem:$0x3FB0]  }
0x29: {  	s4 =	sld [smem:$0x3FB2]  }
0x2a: {  	p0 =	seq.s32 s5, $0x0;
	s5 =	sld [smem:$0x3FB3]  }
0x2b: {  	s6 =	sld [smem:$0x3FB4]  }
0x2c: {  	s7 =	sld [smem:$0x3FB5]  }
0x2d: {  	s3 =	simm.s32 $0x108;
	s8 =	sld [smem:$0x3FB6]  }
0x2e: {  	s3 =	simm.s32 @!p0 $0x1082;
	s9 =	sld [smem:$0x3FB7]  }
0x2f: {  	lr =	sadd.s32 s0, s3;
	s0 =	sld [smem:$0x3FAE]  }
0x30: {  	s3 =	sld [smem:$0x3FB1]  }
0x31: {  	[smem:$0x3FBA] =	sst s10  }
0x32: {  	s10 =	sld [smem:$0x3FB8];
	_ =	sdelay $0x3  }
0x33: {  	p0 =	seq.s32 s10, $0x1;
	s10 =	sld [smem:$0x3FBA];
	_ =	sdelay $0x3  }
0x34: {  	[smem:$0x3FBA] =	sst s10  }
0x35: {  	s10 =	sld [smem:$0x3FB9];
	_ =	sdelay $0x3  }
0x36: {  	p1 =	seq.s32 s10, $0x1;
	s10 =	sld [smem:$0x3FBA];
	_ =	sdelay $0x3  }
0x37: {  	[smem:$0x3FBA] =	sst s10  }
0x38: {  	s10 =	sld [smem:$0x3FBB]  }
0x39: {  	_ = 	snop;
	(pc) =	sbr.ind lr, $3  }
0x3a: {  	_ = 	snop  }
0x3b: {  	_ = 	snop  }
0x3c: {  	p2 =	seq.s32 s10, $0x1;
	s10 =	sld [smem:$0x3FBA]  }
0x3d: {  	_ =	shalt  }
0x3e: {  	_ =	shalt  }
0x3f: {  	_ =	shalt  }
0x40: {  	_ =	shalt  }
0x41: {  	_ =	shalt  }
0x42: {  	_ =	shalt  }
0x43: {  	_ =	shalt  }
0x44: {  	_ =	shalt  }
0x45: {  	_ =	shalt  }
0x46: {  	_ =	shalt  }
0x47: {  	_ =	shalt  }
0x48: {  	_ =	shalt  }
0x49: {  	_ =	shalt  }
0x4a: {  	_ =	shalt  }
0x4b: {  	_ =	shalt  }
0x4c: {  	_ =	shalt  }
0x4d: {  	_ =	shalt  }
0x4e: {  	_ =	shalt  }
0x4f: {  	_ =	shalt  }
0x50: {  	_ =	shalt  }
0x51: {  	_ =	shalt  }
0x52: {  	_ =	shalt  }
0x53: {  	_ =	shalt  }
0x54: {  	_ =	shalt  }
0x55: {  	_ =	shalt  }
0x56: {  	_ =	shalt  }
0x57: {  	_ =	shalt  }
0x58: {  	_ =	shalt  }
0x59: {  	_ =	shalt  }
0x5a: {  	_ =	shalt  }
0x5b: {  	_ =	shalt  }
0x5c: {  	_ =	shalt  }
0x5d: {  	_ =	shalt  }
0x5e: {  	_ =	shalt  }
0x5f: {  	_ =	shalt  }
0x60: {  	_ =	shalt  }
0x61: {  	_ =	shalt  }
0x62: {  	_ =	shalt  }
0x63: {  	_ =	shalt  }
0x64: {  	_ =	shalt  }
0x65: {  	_ =	shalt  }
0x66: {  	_ =	shalt  }
0x67: {  	_ =	shalt  }
0x68: {  	_ =	shalt  }
0x69: {  	_ =	shalt  }
0x6a: {  	_ =	shalt  }
0x6b: {  	_ =	shalt  }
0x6c: {  	_ =	shalt  }
0x6d: {  	_ =	shalt  }
0x6e: {  	_ =	shalt  }
0x6f: {  	_ =	shalt  }
0x70: {  	_ =	shalt  }
0x71: {  	_ =	shalt  }
0x72: {  	_ =	shalt  }
0x73: {  	_ =	shalt  }
0x74: {  	_ =	shalt  }
0x75: {  	_ =	shalt  }
0x76: {  	_ =	shalt  }
0x77: {  	_ =	shalt  }
0x78: {  	_ =	shalt  }
0x79: {  	_ =	shalt  }
0x7a: {  	_ =	shalt  }
0x7b: {  	_ =	shalt  }
0x7c: {  	_ =	shalt  }
0x7d: {  	_ =	shalt  }
0x7e: {  	_ =	shalt  }
0x7f: {  	_ =	shalt  }
0x80: {  	_ =	shalt  }
0x81: {  	_ =	shalt  }
0x82: {  	_ =	shalt  }
0x83: {  	_ =	shalt  }
0x84: {  	_ =	shalt  }
0x85: {  	_ =	shalt  }
0x86: {  	_ =	shalt  }
0x87: {  	_ =	shalt  }
.Lfunc_end0:
.L_simem_size_0:
called_computation_lowered:
.L_overlay_start_0:
0x88: {  	s2 =	sld [smem:$0x3FD9]  }
0x89: {  	s3 =	sld [smem:$0x3FFE];
	_ =	sdelay $0x1  }
0x8a: {  	s1 =	srdreg.scid  }
0x8b: {  	s0 =	sand.u32 $0x1, s1  }
0x8c: {  	s17 =	sshll.u32 s0, $0xA;
	s2 =	sadd.s32 s3, s2  }
0x8d: {  	s2 =	sadd.s32 s2, s17  }
0x8e: {  	[smem:$0x3FC6] =	sst s2  }
0x8f: {  	_ = 	snop  }
0x90: {  	s2 =	sld [smem:$0x3FC8]  }
0x91: {  	s18 =	sld [smem:$0x3FD0];
	(tm) =	ssettm $0x1  }
0x92: {  	s4 =	sld [smem:$0x3FFB];
	_ =	sdelay $0x3  }
0x93: {  	_ =	strace s4  }
0x94: {  	s4 =	sld [smem:$0x3FFC];
	_ =	sdelay $0x3  }
0x95: {  	_ =	strace s4  }
0x96: {  	s4 =	sld [smem:$0x3FFD];
	_ =	sdelay $0x3  }
0x97: {  	_ =	strace s4  }
0x98: {  	_ =	strace $0x8FFFFFFF  }
0x99: {  	s19 =	sld [smem:$0x3FDB];
	_ =	sdelay $0x1  }
0x9a: {  	s5 =	simm.s32 $_scs_section_size  }
0x9b: {  	s6 =	simm.s32 $_size__tile_overlayer_lowered;
	s7 =	simm.s32 $_tile_overlayer_lowered  }
0x9c: {  	s22 =	simm.s32 $0x1BFF;
	s21 =	sshll.u32 s7, $0x1;
	s4 =	sadd.s32 s5, s19  }
0x9d: {  	s8 =	simm.s32 $0x0;
	s20 =	sshll.u32 s6, $0x1;
	s6 =	sadd.s32 s21, s4  }
0x9e: {  	[timem:s8], [sflag:s22] =	dma.local [hbm:s6], s20  }
0x9f: {  	_ =	swait.ge [sflag:s22], s20  }
0xa0: {  	s5 =	ssub.s32 $0x0, s20;
	[sflag:s22] =	ssyncset.done $0x0  }
0xa1: {  	[sflag:s22] =	ssyncadd.s32 s5;
	_ =	sdelay $0x1  }
0xa2: {  	s23 =	simm.s32 $0x1B8B  }
0xa3: {  	_ =	swait.ge [sflag:s23], $0x1  }
0xa4: {  	[sflag:s23] =	ssyncset.done $0x0  }
0xa5: {  	s25 =	simm.s32 $0x1B8E;
	s24 =	sld [smem:$0x3FFE];
	[sflag:s23] =	ssyncadd.s32 $0xFFFFFFFF  }
0xa6: {  	s26 =	simm.s32 $execute0_lowered;
	[smem:$0x3FD2] =	sst s25  }
0xa7: {  	s6 =	sshll.u32 s26, $0x1;
	_ =	strace $0x80000046;
	[dreg:$0x1] =	wrdreg $0xFFFFFFFF  }
0xa8: {  	s28 =	simm.s32 $_size_execute0_lowered;
	s4 =	sadd.s32 s4, s6;
	[dreg:$0x0] =	wrdreg $0x0  }
0xa9: {  	s6 =	sshll.u32 s28, $0x1;
	[dreg:$0x2] =	wrdreg s4  }
0xaa: {  	[dreg:$0x3] =	wrdreg s6  }
0xab: {  	[dreg:$0x4] =	wrdreg $0xC0  }
0xac: {  	_ =	task [dreg:s8], $0x5FFFF  }
0xad: {  	[dreg:$0x1] =	wrdreg $0xFFFFFFFF  }
0xae: {  	[dreg:$0x0] =	wrdreg $0x60  }
0xaf: {  	[dreg:$0x2] =	wrdreg s24  }
0xb0: {  	[dreg:$0x3] =	wrdreg s2  }
0xb1: {  	[dreg:$0x4] =	wrdreg s18  }
0xb2: {  	[dreg:$0x5] =	wrdreg $0x9  }
0xb3: {  	_ =	task.clear_ibuf [dreg:s8], $0x6FFFF;
	_ =	strace $0x90000046  }
0xb4: {  	s29 =	simm.s32 $0x9;
	_ =	strace $0x80000048  }
0xb5: {  	_ =	swait.ge [sflag:s29], $0x1  }
0xb6: {  	[sflag:s29] =	ssyncadd.s32 $0xFFFFFFFF  }
0xb7: {  	_ =	strace $0x90000048  }
0xb8: {  	_ =	sfence  }
0xb9: {  	s30 =	sld [smem:$0x0];
	_ =	sdelay $0x2  }
0xba: {  	s31 =	sshll.u32 s1, $0xD;
	s1 =	sshrl.u32 s1, $0x2  }
0xbb: {  	s3 =	sand.u32 $0x4000, s31;
	s1 =	sadd.s32 s1, s30  }
0xbc: {  	s0 =	sor.u32 s3, s0;
	s1 =	sshll.u32 s1, $0x11  }
0xbd: {  	s0 =	sor.u32 s1, s0  }
0xbe: {  	s0 =	sadd.s32 $0x8F2B, s0  }
0xbf: {  	[sflag:s0] =	ssyncadd.remote.s32 $0x1  }
0xc0: {  	_ =	sfence.sel $0xFFFF  }
0xc1: {  	[dreg:$0x0] =	wrdreg $0xFFFFFFFF;
	(pc) =	sbr.abs _section_cstart, $3  }
0xc2: {  	[dreg:$0x1] =	wrdreg $0xFFFFFFFF  }
0xc3: {  	_ =	task.clear_ibuf [dreg:s8], $0x2FFFF;
	_ =	strace $0x9FFFFFFF  }
0xc4: {  	(tm) =	ssettm $0x7FFFFFFF  }
0xc5: {  	_ =	shalt  }
tec
execute0_lowered:
.L_overlay_start_1:
0x0: {  	(tag) =	ssettag $0x1  }
0x1: {  	s0 =	rddreg [dreg:$0x0]  }
0x2: {  	s2 =	rddreg [dreg:$0x1]  }
0x3: {  	s1 =	srdreg.scid;
	s14 =	stileid.u32  }
0x4: {  	s4 =	rddreg [dreg:$0x2];
	s28 =	simm.s32 $0x4000;
	s29 =	simm.s32 $0x5000  }
0x5: {  	s1 =	sand.u32 $0x1, s1;
	s3 =	sshll.u32 s14, $0x1;
	s7 =	sadd.s32 $0x600, s2  }
0x6: {  	s8 =	sadd.s32 $0x800, s2;
	s9 =	sadd.s32 $0xA00, s2;
	s13 =	sadd.s32 $0x40, s4  }
0x7: {  	s12 =	sadd.s32 $0xE00, s2;
	s19 =	sshll.u32 s14, $0x12;
	s10 =	sor.u32 s1, s3  }
0x8: {  	s3 =	simm.s32 $0x0;
	s6 =	ssub.s32 $0x2, s1;
	s21 =	sadd.s32 s19, s4  }
0x9: {  	s1 =	sshll.u32 s1, $0x11;
	s5 =	sshll.u32 s10, $0xA;
	[smem:$0x7FF] =	sst s3  }
0xa: {  	s30 =	sshrl.u32 s6, $0x1;
	s31 =	sshll.u32 s10, $0x11;
	s14 =	sadd.s32 s1, s21  }
0xb: {  	s10 =	sadd.s32 $0xC00, s2;
	s0 =	sadd.s32 s5, s0;
	s23 =	sadd.s32 $0x5000, s14  }
0xc: {  	_ =	strace $0x80000047;
	s15 =	sadd.s32 s4, s31;
	[dreg:$0x4] =	wrdreg s23  }
0xd: {  	s21 =	simm.s32 $0xB;
	s0 =	sadd.s32 $0x400, s0;
	[dreg:$0x9] =	wrdreg s15  }
0xe: {  	s11 =	ssub.s32 s6, s30;
	s16 =	sadd.s32 $0x1000, s15;
	[dreg:$0x8] =	wrdreg s0  }
0xf: {  	s5 =	sadd.s32 $0x200, s2;
	s17 =	sadd.s32 $0x1040, s15;
	[dreg:$0xb] =	wrdreg s16  }
0x10: {  	s6 =	sadd.s32 $0x400, s2;
	s18 =	sadd.s32 $0x2000, s15;
	[dreg:$0xc] =	wrdreg s17  }
0x11: {  	s14 =	simm.s32 $0x9;
	s20 =	sadd.s32 $0x2040, s15;
	[dreg:$0xd] =	wrdreg s18  }
0x12: {  	s22 =	sadd.s32 $0x1E040, s15;
	s25 =	sadd.s32 $0x1F000, s15;
	[dreg:$0xe] =	wrdreg s20  }
0x13: {  	s30 =	sadd.s32 $0x1F040, s15;
	s23 =	simm.s32 $0x400;
	[dreg:$0x10] =	wrdreg s22  }
0x14: {  	s0 =	sadd.s32 s31, s13;
	s16 =	sadd.s32 $0x1E000, s15;
	[dreg:$0x11] =	wrdreg s25  }
0x15: {  	[dreg:$0x12] =	wrdreg s30;
	s31 =	smax.u32 s11, $0x1;
	s15 =	simm.s32 $0x3800  }
0x16: {  	s18 =	simm.s32 $0x4800;
	s11 =	simm.s32 $0xE800;
	s17 =	simm.s32 $0x200  }
0x17: {  	s20 =	simm.s32 $0xA;
	s22 =	simm.s32 $0xC;
	[dreg:$0xa] =	wrdreg s0  }
0x18: {  	s25 =	simm.s32 $0x16000;
	[dreg:$0xf] =	wrdreg s16;
	s0 =	sor.u32 s1, s19  }
0x19: {  	[dreg:$0x13] =	wrdreg s31;
	s19 =	simm.s32 $0x2800;
	s13 =	sadd.s32 s0, s13  }
0x1a: {  	s1 =	simm.s32 $0x3;
	s0 =	sadd.s32 s0, s4;
	s24 =	sadd.s32 $0x5000, s13  }
0x1b: {  	v0 =	vlaneseq.u32;
	s4 =	simm.s32 $0x8;
	s26 =	sadd.s32 $0x3000, s0;
	[dreg:$0x5] =	wrdreg s24  }
0x1c: {  	v1 =	vshrl.u32 v0, $0x2;
	s0 =	sadd.s32 $0x4000, s0;
	s13 =	simm.s32 $0x4;
	[dreg:$0x6] =	wrdreg s26  }
0x1d: {  	vm0 =	vmmov $0xffff;
	v0 =	vand.u32 $0x3, v0;
	v1 =	vmul.u32 $0x8, v1;
	[dreg:$0x7] =	wrdreg s0;
	s0 =	simm.s32 $0x3000;
	s24 =	simm.s32 $0x0  }
.LBB2_1:
0x1e: {  	[dreg:$0x14] =	wrdreg s24  }
0x1f: {  	s16 =	rddreg [dreg:$0x8];
	s26 =	simm.s32 $0xD  }
0x20: {  	[tilespmem:s3], [sflag:$0xD] =	stream.linear.gather [hbm4b:s16+s3], $0x2000, $0x38;
	[tilespmem:$0x1A000] =	vst v63  }
0x21: {  	_ =	swait.ge [sflag:s26], $0x2000  }
0x22: {  	[sflag:s26] =	ssyncset.done $0x0  }
0x23: {  	[sflag:s26] =	ssyncadd.s32 $0xFFFFE000  }
0x24: {  	v2 =	vld.msk [tilespmem:$0x0], $0xf;
	_ =	sdelay $0x4  }
0x25: {  	v3 =	vshll.u32 v2, $0x5  }
0x26: {  	v2 =	vand.u32 $0x7, v2;
	v3 =	vand.u32 $0xFFFFFF00, v3  }
0x27: {  	v2 =	vor.u32 v2, v3  }
0x28: {  	v2 =	vperm.xlane v2, v0;
	_ =	sdelay $0x1  }
0x29: {  	v2 =	vadd.s32 v1, v2;
	_ =	sdelay $0x3  }
0x2a: {  	s24 =	simm.s32 $0x2000  }
0x2b: {  	[tilespmem:s24], [sflag:$0x1] =	stream.indirect_vreg.gather [hbm4b:s2+s3], $0x80, v2, vm0, $0xb8;
	[tilespmem:$0x1A000] =	vst v63  }
0x2c: {  	_ = 	snop  }
0x2d: {  	[tilespmem:s19], [sflag:$0x1] =	stream.indirect_vreg.gather [hbm4b:s5+s3], $0x80, v2, vm0, $0xb8;
	[tilespmem:$0x1A000] =	vst v63  }
0x2e: {  	_ = 	snop  }
0x2f: {  	[tilespmem:s0], [sflag:$0x1] =	stream.indirect_vreg.gather [hbm4b:s6+s3], $0x80, v2, vm0, $0xb8;
	[tilespmem:$0x1A000] =	vst v63  }
0x30: {  	_ = 	snop  }
0x31: {  	[tilespmem:s15], [sflag:$0x1] =	stream.indirect_vreg.gather [hbm4b:s7+s3], $0x80, v2, vm0, $0xb8;
	[tilespmem:$0x1A000] =	vst v63  }
0x32: {  	_ = 	snop  }
0x33: {  	[tilespmem:s28], [sflag:$0x1] =	stream.indirect_vreg.gather [hbm4b:s8+s3], $0x80, v2, vm0, $0xb8;
	[tilespmem:$0x1A000] =	vst v63  }
0x34: {  	_ = 	snop  }
0x35: {  	[tilespmem:s18], [sflag:$0x1] =	stream.indirect_vreg.gather [hbm4b:s9+s3], $0x80, v2, vm0, $0xb8;
	[tilespmem:$0x1A000] =	vst v63  }
0x36: {  	_ = 	snop  }
0x37: {  	[tilespmem:s29], [sflag:$0x1] =	stream.indirect_vreg.gather [hbm4b:s10+s3], $0x80, v2, vm0, $0xb8;
	[tilespmem:$0x1A000] =	vst v63  }
0x38: {  	s26 =	simm.s32 $0x5800  }
0x39: {  	[tilespmem:s26], [sflag:$0x1] =	stream.indirect_vreg.gather [hbm4b:s12+s3], $0x80, v2, vm0, $0xb8;
	[tilespmem:$0x1A000] =	vst v63  }
0x3a: {  	v2 =	vld.msk [tilespmem:$0x80], $0xf;
	_ =	sdelay $0x4  }
0x3b: {  	v3 =	vshll.u32 v2, $0x5  }
0x3c: {  	v2 =	vand.u32 $0x7, v2;
	v3 =	vand.u32 $0xFFFFFF00, v3  }
0x3d: {  	v2 =	vor.u32 v2, v3  }
0x3e: {  	v2 =	vperm.xlane v2, v0;
	_ =	sdelay $0x1  }
0x3f: {  	v2 =	vadd.s32 v1, v2;
	_ =	sdelay $0x3  }
0x40: {  	s31 =	simm.s32 $0x6000  }
0x41: {  	[tilespmem:s31], [sflag:$0x2] =	stream.indirect_vreg.gather [hbm4b:s2+s3], $0x80, v2, vm0, $0xb8;
	[tilespmem:$0x1A000] =	vst v63  }
0x42: {  	s31 =	simm.s32 $0x6800  }
0x43: {  	[tilespmem:s31], [sflag:$0x2] =	stream.indirect_vreg.gather [hbm4b:s5+s3], $0x80, v2, vm0, $0xb8;
	[tilespmem:$0x1A000] =	vst v63  }
0x44: {  	s31 =	simm.s32 $0x7000  }
0x45: {  	[tilespmem:s31], [sflag:$0x2] =	stream.indirect_vreg.gather [hbm4b:s6+s3], $0x80, v2, vm0, $0xb8;
	[tilespmem:$0x1A000] =	vst v63  }
0x46: {  	s31 =	simm.s32 $0x7800  }
0x47: {  	[tilespmem:s31], [sflag:$0x2] =	stream.indirect_vreg.gather [hbm4b:s7+s3], $0x80, v2, vm0, $0xb8;
	[tilespmem:$0x1A000] =	vst v63  }
0x48: {  	s31 =	simm.s32 $0x8000  }
0x49: {  	[tilespmem:s31], [sflag:$0x2] =	stream.indirect_vreg.gather [hbm4b:s8+s3], $0x80, v2, vm0, $0xb8;
	[tilespmem:$0x1A000] =	vst v63  }
0x4a: {  	s31 =	simm.s32 $0x8800  }
0x4b: {  	[tilespmem:s31], [sflag:$0x2] =	stream.indirect_vreg.gather [hbm4b:s9+s3], $0x80, v2, vm0, $0xb8;
	[tilespmem:$0x1A000] =	vst v63  }
0x4c: {  	s31 =	simm.s32 $0x9000  }
0x4d: {  	[tilespmem:s31], [sflag:$0x2] =	stream.indirect_vreg.gather [hbm4b:s10+s3], $0x80, v2, vm0, $0xb8;
	[tilespmem:$0x1A000] =	vst v63  }
0x4e: {  	s31 =	simm.s32 $0x9800  }
0x4f: {  	[tilespmem:s31], [sflag:$0x2] =	stream.indirect_vreg.gather [hbm4b:s12+s3], $0x80, v2, vm0, $0xb8;
	[tilespmem:$0x1A000] =	vst v63  }
0x50: {  	v2 =	vld.msk [tilespmem:$0x100], $0xf;
	_ =	sdelay $0x4  }
0x51: {  	v3 =	vshll.u32 v2, $0x5  }
0x52: {  	v2 =	vand.u32 $0x7, v2;
	v3 =	vand.u32 $0xFFFFFF00, v3  }
0x53: {  	v2 =	vor.u32 v2, v3  }
0x54: {  	v2 =	vperm.xlane v2, v0;
	_ =	sdelay $0x1  }
0x55: {  	v2 =	vadd.s32 v1, v2;
	_ =	sdelay $0x3  }
0x56: {  	s31 =	simm.s32 $0xA000  }
0x57: {  	[tilespmem:s31], [sflag:$0x3] =	stream.indirect_vreg.gather [hbm4b:s2+s3], $0x80, v2, vm0, $0xb8;
	[tilespmem:$0x1A000] =	vst v63  }
0x58: {  	s31 =	simm.s32 $0xA800  }
0x59: {  	[tilespmem:s31], [sflag:$0x3] =	stream.indirect_vreg.gather [hbm4b:s5+s3], $0x80, v2, vm0, $0xb8;
	[tilespmem:$0x1A000] =	vst v63  }
0x5a: {  	s31 =	simm.s32 $0xB000  }
0x5b: {  	[tilespmem:s31], [sflag:$0x3] =	stream.indirect_vreg.gather [hbm4b:s6+s3], $0x80, v2, vm0, $0xb8;
	[tilespmem:$0x1A000] =	vst v63  }
0x5c: {  	s31 =	simm.s32 $0xB800  }
0x5d: {  	[tilespmem:s31], [sflag:$0x3] =	stream.indirect_vreg.gather [hbm4b:s7+s3], $0x80, v2, vm0, $0xb8;
	[tilespmem:$0x1A000] =	vst v63  }
0x5e: {  	s31 =	simm.s32 $0xC000  }
0x5f: {  	[tilespmem:s31], [sflag:$0x3] =	stream.indirect_vreg.gather [hbm4b:s8+s3], $0x80, v2, vm0, $0xb8;
	[tilespmem:$0x1A000] =	vst v63  }
0x60: {  	s31 =	simm.s32 $0xC800  }
0x61: {  	[tilespmem:s31], [sflag:$0x3] =	stream.indirect_vreg.gather [hbm4b:s9+s3], $0x80, v2, vm0, $0xb8;
	[tilespmem:$0x1A000] =	vst v63  }
0x62: {  	s31 =	simm.s32 $0xD000  }
0x63: {  	[tilespmem:s31], [sflag:$0x3] =	stream.indirect_vreg.gather [hbm4b:s10+s3], $0x80, v2, vm0, $0xb8;
	[tilespmem:$0x1A000] =	vst v63  }
0x64: {  	s31 =	simm.s32 $0xD800  }
0x65: {  	[tilespmem:s31], [sflag:$0x3] =	stream.indirect_vreg.gather [hbm4b:s12+s3], $0x80, v2, vm0, $0xb8;
	[tilespmem:$0x1A000] =	vst v63  }
0x66: {  	v2 =	vld.msk [tilespmem:$0x180], $0xf;
	_ =	sdelay $0x4  }
0x67: {  	v3 =	vshll.u32 v2, $0x5  }
0x68: {  	v2 =	vand.u32 $0x7, v2;
	v3 =	vand.u32 $0xFFFFFF00, v3  }
0x69: {  	v2 =	vor.u32 v2, v3  }
0x6a: {  	v2 =	vperm.xlane v2, v0;
	_ =	sdelay $0x1  }
0x6b: {  	v2 =	vadd.s32 v1, v2;
	_ =	sdelay $0x3  }
0x6c: {  	s31 =	simm.s32 $0xE000  }
0x6d: {  	[tilespmem:s31], [sflag:$0x4] =	stream.indirect_vreg.gather [hbm4b:s2+s3], $0x80, v2, vm0, $0xb8;
	[tilespmem:$0x1A000] =	vst v63  }
0x6e: {  	_ = 	snop  }
0x6f: {  	[tilespmem:s11], [sflag:$0x4] =	stream.indirect_vreg.gather [hbm4b:s5+s3], $0x80, v2, vm0, $0xb8;
	[tilespmem:$0x1A000] =	vst v63  }
0x70: {  	s31 =	simm.s32 $0xF000  }
0x71: {  	[tilespmem:s31], [sflag:$0x4] =	stream.indirect_vreg.gather [hbm4b:s6+s3], $0x80, v2, vm0, $0xb8;
	[tilespmem:$0x1A000] =	vst v63  }
0x72: {  	s31 =	simm.s32 $0xF800  }
0x73: {  	[tilespmem:s31], [sflag:$0x4] =	stream.indirect_vreg.gather [hbm4b:s7+s3], $0x80, v2, vm0, $0xb8;
	[tilespmem:$0x1A000] =	vst v63  }
0x74: {  	s31 =	simm.s32 $0x10000  }
0x75: {  	[tilespmem:s31], [sflag:$0x4] =	stream.indirect_vreg.gather [hbm4b:s8+s3], $0x80, v2, vm0, $0xb8;
	[tilespmem:$0x1A000] =	vst v63  }
0x76: {  	s31 =	simm.s32 $0x10800  }
0x77: {  	[tilespmem:s31], [sflag:$0x4] =	stream.indirect_vreg.gather [hbm4b:s9+s3], $0x80, v2, vm0, $0xb8;
	[tilespmem:$0x1A000] =	vst v63  }
0x78: {  	s31 =	simm.s32 $0x11000  }
0x79: {  	[tilespmem:s31], [sflag:$0x4] =	stream.indirect_vreg.gather [hbm4b:s10+s3], $0x80, v2, vm0, $0xb8;
	[tilespmem:$0x1A000] =	vst v63  }
0x7a: {  	s31 =	simm.s32 $0x11800  }
0x7b: {  	[tilespmem:s31], [sflag:$0x4] =	stream.indirect_vreg.gather [hbm4b:s12+s3], $0x80, v2, vm0, $0xb8;
	[tilespmem:$0x1A000] =	vst v63  }
0x7c: {  	v2 =	vld.msk [tilespmem:$0x200], $0xf;
	_ =	sdelay $0x4  }
0x7d: {  	v3 =	vshll.u32 v2, $0x5  }
0x7e: {  	v2 =	vand.u32 $0x7, v2;
	v3 =	vand.u32 $0xFFFFFF00, v3  }
0x7f: {  	v2 =	vor.u32 v2, v3  }
0x80: {  	v2 =	vperm.xlane v2, v0;
	_ =	sdelay $0x1  }
0x81: {  	v2 =	vadd.s32 v1, v2;
	_ =	sdelay $0x3  }
0x82: {  	s31 =	simm.s32 $0x12000  }
0x83: {  	[tilespmem:s31], [sflag:$0x5] =	stream.indirect_vreg.gather [hbm4b:s2+s3], $0x80, v2, vm0, $0xb8;
	[tilespmem:$0x1A000] =	vst v63  }
0x84: {  	s16 =	simm.s32 $0x12800  }
0x85: {  	[tilespmem:s16], [sflag:$0x5] =	stream.indirect_vreg.gather [hbm4b:s5+s3], $0x80, v2, vm0, $0xb8;
	[tilespmem:$0x1A000] =	vst v63  }
0x86: {  	s16 =	simm.s32 $0x13000  }
0x87: {  	[tilespmem:s16], [sflag:$0x5] =	stream.indirect_vreg.gather [hbm4b:s6+s3], $0x80, v2, vm0, $0xb8;
	[tilespmem:$0x1A000] =	vst v63  }
0x88: {  	s16 =	simm.s32 $0x13800  }
0x89: {  	[tilespmem:s16], [sflag:$0x5] =	stream.indirect_vreg.gather [hbm4b:s7+s3], $0x80, v2, vm0, $0xb8;
	[tilespmem:$0x1A000] =	vst v63  }
0x8a: {  	s16 =	simm.s32 $0x14000  }
0x8b: {  	[tilespmem:s16], [sflag:$0x5] =	stream.indirect_vreg.gather [hbm4b:s8+s3], $0x80, v2, vm0, $0xb8;
	[tilespmem:$0x1A000] =	vst v63  }
0x8c: {  	s16 =	simm.s32 $0x14800  }
0x8d: {  	[tilespmem:s16], [sflag:$0x5] =	stream.indirect_vreg.gather [hbm4b:s9+s3], $0x80, v2, vm0, $0xb8;
	[tilespmem:$0x1A000] =	vst v63  }
0x8e: {  	s16 =	simm.s32 $0x15000  }
0x8f: {  	[tilespmem:s16], [sflag:$0x5] =	stream.indirect_vreg.gather [hbm4b:s10+s3], $0x80, v2, vm0, $0xb8;
	[tilespmem:$0x1A000] =	vst v63  }
0x90: {  	s16 =	simm.s32 $0x15800  }
0x91: {  	[tilespmem:s16], [sflag:$0x5] =	stream.indirect_vreg.gather [hbm4b:s12+s3], $0x80, v2, vm0, $0xb8;
	[tilespmem:$0x1A000] =	vst v63  }
0x92: {  	s16 =	simm.s32 $0x1  }
0x93: {  	_ =	swait.ge [sflag:s16], $0x4000  }
0x94: {  	[sflag:s16] =	ssyncset.done $0x0  }
0x95: {  	[sflag:s16] =	ssyncadd.s32 $0xFFFFC000;
	s16 =	rddreg [dreg:$0x9]  }
0x96: {  	[hbm4b:s16+s17] =	stream.strided.scatter [tilespmem:s24], [sflag:$0x7], $0x4000, s23, s17, $0x38;
	[tilespmem:$0x1A000] =	vst v63  }
0x97: {  	v2 =	vld.msk [tilespmem:$0x280], $0xf;
	_ =	sdelay $0x4  }
0x98: {  	v3 =	vshll.u32 v2, $0x5  }
0x99: {  	v2 =	vand.u32 $0x7, v2;
	v3 =	vand.u32 $0xFFFFFF00, v3  }
0x9a: {  	v2 =	vor.u32 v2, v3  }
0x9b: {  	v2 =	vperm.xlane v2, v0;
	_ =	sdelay $0x1  }
0x9c: {  	v2 =	vadd.s32 v1, v2;
	_ =	sdelay $0x4  }
0x9d: {  	[tilespmem:s25], [sflag:$0x6] =	stream.indirect_vreg.gather [hbm4b:s2+s3], $0x80, v2, vm0, $0xb8;
	[tilespmem:$0x1A000] =	vst v63  }
0x9e: {  	s16 =	simm.s32 $0x16800  }
0x9f: {  	[tilespmem:s16], [sflag:$0x6] =	stream.indirect_vreg.gather [hbm4b:s5+s3], $0x80, v2, vm0, $0xb8;
	[tilespmem:$0x1A000] =	vst v63  }
0xa0: {  	s16 =	simm.s32 $0x17000  }
0xa1: {  	[tilespmem:s16], [sflag:$0x6] =	stream.indirect_vreg.gather [hbm4b:s6+s3], $0x80, v2, vm0, $0xb8;
	[tilespmem:$0x1A000] =	vst v63  }
0xa2: {  	s16 =	simm.s32 $0x17800  }
0xa3: {  	[tilespmem:s16], [sflag:$0x6] =	stream.indirect_vreg.gather [hbm4b:s7+s3], $0x80, v2, vm0, $0xb8;
	[tilespmem:$0x1A000] =	vst v63  }
0xa4: {  	s16 =	simm.s32 $0x18000  }
0xa5: {  	[tilespmem:s16], [sflag:$0x6] =	stream.indirect_vreg.gather [hbm4b:s8+s3], $0x80, v2, vm0, $0xb8;
	[tilespmem:$0x1A000] =	vst v63  }
0xa6: {  	s16 =	simm.s32 $0x18800  }
0xa7: {  	[tilespmem:s16], [sflag:$0x6] =	stream.indirect_vreg.gather [hbm4b:s9+s3], $0x80, v2, vm0, $0xb8;
	[tilespmem:$0x1A000] =	vst v63  }
0xa8: {  	s16 =	simm.s32 $0x19000  }
0xa9: {  	[tilespmem:s16], [sflag:$0x6] =	stream.indirect_vreg.gather [hbm4b:s10+s3], $0x80, v2, vm0, $0xb8;
	[tilespmem:$0x1A000] =	vst v63  }
0xaa: {  	s16 =	simm.s32 $0x19800  }
0xab: {  	[tilespmem:s16], [sflag:$0x6] =	stream.indirect_vreg.gather [hbm4b:s12+s3], $0x80, v2, vm0, $0xb8;
	[tilespmem:$0x1A000] =	vst v63  }
0xac: {  	s16 =	simm.s32 $0x2  }
0xad: {  	_ =	swait.ge [sflag:s16], $0x4000  }
0xae: {  	[sflag:s16] =	ssyncset.done $0x0  }
0xaf: {  	s30 =	simm.s32 $0x6000;
	[sflag:s16] =	ssyncadd.s32 $0xFFFFC000;
	s16 =	rddreg [dreg:$0xa]  }
0xb0: {  	[hbm4b:s16+s17] =	stream.strided.scatter [tilespmem:s30], [sflag:$0x8], $0x4000, s23, s17, $0x38;
	[tilespmem:$0x1A000] =	vst v63  }
0xb1: {  	s16 =	simm.s32 $0x7  }
0xb2: {  	_ =	swait.ge [sflag:s16], $0x4000  }
0xb3: {  	[sflag:s16] =	ssyncset.done $0x0  }
0xb4: {  	[sflag:s16] =	ssyncadd.s32 $0xFFFFC000  }
0xb5: {  	v2 =	vld.msk [tilespmem:$0x300], $0xf;
	_ =	sdelay $0x4  }
0xb6: {  	v3 =	vshll.u32 v2, $0x5  }
0xb7: {  	v2 =	vand.u32 $0x7, v2;
	v3 =	vand.u32 $0xFFFFFF00, v3  }
0xb8: {  	v2 =	vor.u32 v2, v3  }
0xb9: {  	v2 =	vperm.xlane v2, v0;
	_ =	sdelay $0x1  }
0xba: {  	v2 =	vadd.s32 v1, v2;
	_ =	sdelay $0x4  }
0xbb: {  	[tilespmem:s24], [sflag:$0x1] =	stream.indirect_vreg.gather [hbm4b:s2+s3], $0x80, v2, vm0, $0xb8;
	[tilespmem:$0x1A000] =	vst v63  }
0xbc: {  	_ = 	snop  }
0xbd: {  	[tilespmem:s19], [sflag:$0x1] =	stream.indirect_vreg.gather [hbm4b:s5+s3], $0x80, v2, vm0, $0xb8;
	[tilespmem:$0x1A000] =	vst v63  }
0xbe: {  	_ = 	snop  }
0xbf: {  	[tilespmem:s0], [sflag:$0x1] =	stream.indirect_vreg.gather [hbm4b:s6+s3], $0x80, v2, vm0, $0xb8;
	[tilespmem:$0x1A000] =	vst v63  }
0xc0: {  	_ = 	snop  }
0xc1: {  	[tilespmem:s15], [sflag:$0x1] =	stream.indirect_vreg.gather [hbm4b:s7+s3], $0x80, v2, vm0, $0xb8;
	[tilespmem:$0x1A000] =	vst v63  }
0xc2: {  	_ = 	snop  }
0xc3: {  	[tilespmem:s28], [sflag:$0x1] =	stream.indirect_vreg.gather [hbm4b:s8+s3], $0x80, v2, vm0, $0xb8;
	[tilespmem:$0x1A000] =	vst v63  }
0xc4: {  	_ = 	snop  }
0xc5: {  	[tilespmem:s18], [sflag:$0x1] =	stream.indirect_vreg.gather [hbm4b:s9+s3], $0x80, v2, vm0, $0xb8;
	[tilespmem:$0x1A000] =	vst v63  }
0xc6: {  	_ = 	snop  }
0xc7: {  	[tilespmem:s29], [sflag:$0x1] =	stream.indirect_vreg.gather [hbm4b:s10+s3], $0x80, v2, vm0, $0xb8;
	[tilespmem:$0x1A000] =	vst v63  }
0xc8: {  	_ = 	snop  }
0xc9: {  	[tilespmem:s26], [sflag:$0x1] =	stream.indirect_vreg.gather [hbm4b:s12+s3], $0x80, v2, vm0, $0xb8;
	[tilespmem:$0x1A000] =	vst v63  }
0xca: {  	_ =	swait.ge [sflag:s1], $0x4000  }
0xcb: {  	[sflag:s1] =	ssyncset.done $0x0  }
0xcc: {  	s15 =	simm.s32 $0xA000;
	s18 =	rddreg [dreg:$0xb];
	[sflag:s1] =	ssyncadd.s32 $0xFFFFC000  }
0xcd: {  	[hbm4b:s18+s17] =	stream.strided.scatter [tilespmem:s15], [sflag:$0x9], $0x4000, s23, s17, $0x38;
	[tilespmem:$0x1A000] =	vst v63  }
0xce: {  	_ =	swait.ge [sflag:s4], $0x4000  }
0xcf: {  	[sflag:s4] =	ssyncset.done $0x0  }
0xd0: {  	[sflag:s4] =	ssyncadd.s32 $0xFFFFC000  }
0xd1: {  	v2 =	vld.msk [tilespmem:$0x380], $0xf;
	_ =	sdelay $0x4  }
0xd2: {  	v3 =	vshll.u32 v2, $0x5  }
0xd3: {  	v2 =	vand.u32 $0x7, v2;
	v3 =	vand.u32 $0xFFFFFF00, v3  }
0xd4: {  	v2 =	vor.u32 v2, v3  }
0xd5: {  	v2 =	vperm.xlane v2, v0;
	_ =	sdelay $0x1  }
0xd6: {  	v2 =	vadd.s32 v1, v2;
	_ =	sdelay $0x4  }
0xd7: {  	[tilespmem:s30], [sflag:$0x2] =	stream.indirect_vreg.gather [hbm4b:s2+s3], $0x80, v2, vm0, $0xb8;
	[tilespmem:$0x1A000] =	vst v63  }
0xd8: {  	s19 =	simm.s32 $0x6800  }
0xd9: {  	[tilespmem:s19], [sflag:$0x2] =	stream.indirect_vreg.gather [hbm4b:s5+s3], $0x80, v2, vm0, $0xb8;
	[tilespmem:$0x1A000] =	vst v63  }
0xda: {  	s24 =	simm.s32 $0x7000  }
0xdb: {  	[tilespmem:s24], [sflag:$0x2] =	stream.indirect_vreg.gather [hbm4b:s6+s3], $0x80, v2, vm0, $0xb8;
	[tilespmem:$0x1A000] =	vst v63  }
0xdc: {  	s26 =	simm.s32 $0x7800  }
0xdd: {  	[tilespmem:s26], [sflag:$0x2] =	stream.indirect_vreg.gather [hbm4b:s7+s3], $0x80, v2, vm0, $0xb8;
	[tilespmem:$0x1A000] =	vst v63  }
0xde: {  	s28 =	simm.s32 $0x8000  }
0xdf: {  	[tilespmem:s28], [sflag:$0x2] =	stream.indirect_vreg.gather [hbm4b:s8+s3], $0x80, v2, vm0, $0xb8;
	[tilespmem:$0x1A000] =	vst v63  }
0xe0: {  	s16 =	simm.s32 $0x8800  }
0xe1: {  	[tilespmem:s16], [sflag:$0x2] =	stream.indirect_vreg.gather [hbm4b:s9+s3], $0x80, v2, vm0, $0xb8;
	[tilespmem:$0x1A000] =	vst v63  }
0xe2: {  	s18 =	simm.s32 $0x9000  }
0xe3: {  	[tilespmem:s18], [sflag:$0x2] =	stream.indirect_vreg.gather [hbm4b:s10+s3], $0x80, v2, vm0, $0xb8;
	[tilespmem:$0x1A000] =	vst v63  }
0xe4: {  	s19 =	simm.s32 $0x9800  }
0xe5: {  	[tilespmem:s19], [sflag:$0x2] =	stream.indirect_vreg.gather [hbm4b:s12+s3], $0x80, v2, vm0, $0xb8;
	[tilespmem:$0x1A000] =	vst v63  }
0xe6: {  	_ =	swait.ge [sflag:s13], $0x4000  }
0xe7: {  	[sflag:s13] =	ssyncset.done $0x0  }
0xe8: {  	s0 =	simm.s32 $0xE000;
	s24 =	rddreg [dreg:$0xc];
	[sflag:s13] =	ssyncadd.s32 $0xFFFFC000  }
0xe9: {  	[hbm4b:s24+s17] =	stream.strided.scatter [tilespmem:s0], [sflag:$0xA], $0x4000, s23, s17, $0x38;
	[tilespmem:$0x1A000] =	vst v63  }
0xea: {  	_ =	swait.ge [sflag:s14], $0x4000  }
0xeb: {  	[sflag:s14] =	ssyncset.done $0x0  }
0xec: {  	[sflag:s14] =	ssyncadd.s32 $0xFFFFC000  }
0xed: {  	v2 =	vld.msk [tilespmem:$0x400], $0xf;
	_ =	sdelay $0x4  }
0xee: {  	v3 =	vshll.u32 v2, $0x5  }
0xef: {  	v2 =	vand.u32 $0x7, v2;
	v3 =	vand.u32 $0xFFFFFF00, v3  }
0xf0: {  	v2 =	vor.u32 v2, v3  }
0xf1: {  	v2 =	vperm.xlane v2, v0;
	_ =	sdelay $0x1  }
0xf2: {  	v2 =	vadd.s32 v1, v2;
	_ =	sdelay $0x4  }
0xf3: {  	[tilespmem:s15], [sflag:$0x3] =	stream.indirect_vreg.gather [hbm4b:s2+s3], $0x80, v2, vm0, $0xb8;
	[tilespmem:$0x1A000] =	vst v63  }
0xf4: {  	s26 =	simm.s32 $0xA800  }
0xf5: {  	[tilespmem:s26], [sflag:$0x3] =	stream.indirect_vreg.gather [hbm4b:s5+s3], $0x80, v2, vm0, $0xb8;
	[tilespmem:$0x1A000] =	vst v63  }
0xf6: {  	s28 =	simm.s32 $0xB000  }
0xf7: {  	[tilespmem:s28], [sflag:$0x3] =	stream.indirect_vreg.gather [hbm4b:s6+s3], $0x80, v2, vm0, $0xb8;
	[tilespmem:$0x1A000] =	vst v63  }
0xf8: {  	s16 =	simm.s32 $0xB800  }
0xf9: {  	[tilespmem:s16], [sflag:$0x3] =	stream.indirect_vreg.gather [hbm4b:s7+s3], $0x80, v2, vm0, $0xb8;
	[tilespmem:$0x1A000] =	vst v63  }
0xfa: {  	s18 =	simm.s32 $0xC000  }
0xfb: {  	[tilespmem:s18], [sflag:$0x3] =	stream.indirect_vreg.gather [hbm4b:s8+s3], $0x80, v2, vm0, $0xb8;
	[tilespmem:$0x1A000] =	vst v63  }
0xfc: {  	s19 =	simm.s32 $0xC800  }
0xfd: {  	[tilespmem:s19], [sflag:$0x3] =	stream.indirect_vreg.gather [hbm4b:s9+s3], $0x80, v2, vm0, $0xb8;
	[tilespmem:$0x1A000] =	vst v63  }
0xfe: {  	s24 =	simm.s32 $0xD000  }
0xff: {  	[tilespmem:s24], [sflag:$0x3] =	stream.indirect_vreg.gather [hbm4b:s10+s3], $0x80, v2, vm0, $0xb8;
	[tilespmem:$0x1A000] =	vst v63  }
0x100: {  	s26 =	simm.s32 $0xD800  }
0x101: {  	[tilespmem:s26], [sflag:$0x3] =	stream.indirect_vreg.gather [hbm4b:s12+s3], $0x80, v2, vm0, $0xb8;
	[tilespmem:$0x1A000] =	vst v63  }
0x102: {  	s26 =	simm.s32 $0x5  }
0x103: {  	_ =	swait.ge [sflag:s26], $0x4000  }
0x104: {  	[sflag:s26] =	ssyncset.done $0x0  }
0x105: {  	s28 =	rddreg [dreg:$0xd];
	[sflag:s26] =	ssyncadd.s32 $0xFFFFC000  }
0x106: {  	[hbm4b:s28+s17] =	stream.strided.scatter [tilespmem:s31], [sflag:$0xB], $0x4000, s23, s17, $0x38;
	[tilespmem:$0x1A000] =	vst v63  }
0x107: {  	_ =	swait.ge [sflag:s20], $0x4000  }
0x108: {  	[sflag:s20] =	ssyncset.done $0x0  }
0x109: {  	[sflag:s20] =	ssyncadd.s32 $0xFFFFC000  }
0x10a: {  	v2 =	vld.msk [tilespmem:$0x480], $0xf;
	_ =	sdelay $0x4  }
0x10b: {  	v3 =	vshll.u32 v2, $0x5  }
0x10c: {  	v2 =	vand.u32 $0x7, v2;
	v3 =	vand.u32 $0xFFFFFF00, v3  }
0x10d: {  	v2 =	vor.u32 v2, v3  }
0x10e: {  	v2 =	vperm.xlane v2, v0;
	_ =	sdelay $0x1  }
0x10f: {  	v2 =	vadd.s32 v1, v2;
	_ =	sdelay $0x4  }
0x110: {  	[tilespmem:s0], [sflag:$0x4] =	stream.indirect_vreg.gather [hbm4b:s2+s3], $0x80, v2, vm0, $0xb8;
	[tilespmem:$0x1A000] =	vst v63  }
0x111: {  	_ = 	snop  }
0x112: {  	[tilespmem:s11], [sflag:$0x4] =	stream.indirect_vreg.gather [hbm4b:s5+s3], $0x80, v2, vm0, $0xb8;
	[tilespmem:$0x1A000] =	vst v63  }
0x113: {  	s15 =	simm.s32 $0xF000  }
0x114: {  	[tilespmem:s15], [sflag:$0x4] =	stream.indirect_vreg.gather [hbm4b:s6+s3], $0x80, v2, vm0, $0xb8;
	[tilespmem:$0x1A000] =	vst v63  }
0x115: {  	s16 =	simm.s32 $0xF800  }
0x116: {  	[tilespmem:s16], [sflag:$0x4] =	stream.indirect_vreg.gather [hbm4b:s7+s3], $0x80, v2, vm0, $0xb8;
	[tilespmem:$0x1A000] =	vst v63  }
0x117: {  	s18 =	simm.s32 $0x10000  }
0x118: {  	[tilespmem:s18], [sflag:$0x4] =	stream.indirect_vreg.gather [hbm4b:s8+s3], $0x80, v2, vm0, $0xb8;
	[tilespmem:$0x1A000] =	vst v63  }
0x119: {  	s19 =	simm.s32 $0x10800  }
0x11a: {  	[tilespmem:s19], [sflag:$0x4] =	stream.indirect_vreg.gather [hbm4b:s9+s3], $0x80, v2, vm0, $0xb8;
	[tilespmem:$0x1A000] =	vst v63  }
0x11b: {  	s24 =	simm.s32 $0x11000  }
0x11c: {  	[tilespmem:s24], [sflag:$0x4] =	stream.indirect_vreg.gather [hbm4b:s10+s3], $0x80, v2, vm0, $0xb8;
	[tilespmem:$0x1A000] =	vst v63  }
0x11d: {  	s30 =	simm.s32 $0x6;
	s28 =	simm.s32 $0x11800  }
0x11e: {  	[tilespmem:s28], [sflag:$0x4] =	stream.indirect_vreg.gather [hbm4b:s12+s3], $0x80, v2, vm0, $0xb8;
	[tilespmem:$0x1A000] =	vst v63  }
0x11f: {  	_ =	swait.ge [sflag:s30], $0x4000  }
0x120: {  	s29 =	simm.s32 $0x780;
	[sflag:s30] =	ssyncset.done $0x0  }
0x121: {  	s16 =	simm.s32 $0x0;
	s31 =	rddreg [dreg:$0xe];
	[sflag:s30] =	ssyncadd.s32 $0xFFFFC000  }
0x122: {  	[hbm4b:s31+s17] =	stream.strided.scatter [tilespmem:s25], [sflag:$0xC], $0x4000, s23, s17, $0x38;
	[tilespmem:$0x1A000] =	vst v63  }
.LBB2_2:
0x123: {  	_ =	swait.ge [sflag:s21], $0x4000  }
0x124: {  	[sflag:s21] =	ssyncset.done $0x0  }
0x125: {  	[sflag:s21] =	ssyncadd.s32 $0xFFFFC000  }
0x126: {  	v2 =	vld.msk [tilespmem:s29+$0xFFFFFD80], $0xf;
	_ =	sdelay $0x4  }
0x127: {  	v3 =	vshll.u32 v2, $0x5  }
0x128: {  	v2 =	vand.u32 $0x7, v2;
	v3 =	vand.u32 $0xFFFFFF00, v3  }
0x129: {  	v2 =	vor.u32 v2, v3  }
0x12a: {  	v2 =	vperm.xlane v2, v0;
	_ =	sdelay $0x1  }
0x12b: {  	v2 =	vadd.s32 v1, v2;
	_ =	sdelay $0x3  }
0x12c: {  	s31 =	simm.s32 $0x12000  }
0x12d: {  	[tilespmem:s31], [sflag:$0x5] =	stream.indirect_vreg.gather [hbm4b:s2+s3], $0x80, v2, vm0, $0xb8;
	[tilespmem:$0x1A000] =	vst v63  }
0x12e: {  	s0 =	simm.s32 $0x12800  }
0x12f: {  	[tilespmem:s0], [sflag:$0x5] =	stream.indirect_vreg.gather [hbm4b:s5+s3], $0x80, v2, vm0, $0xb8;
	[tilespmem:$0x1A000] =	vst v63  }
0x130: {  	s18 =	simm.s32 $0x13000  }
0x131: {  	[tilespmem:s18], [sflag:$0x5] =	stream.indirect_vreg.gather [hbm4b:s6+s3], $0x80, v2, vm0, $0xb8;
	[tilespmem:$0x1A000] =	vst v63  }
0x132: {  	s19 =	simm.s32 $0x13800  }
0x133: {  	[tilespmem:s19], [sflag:$0x5] =	stream.indirect_vreg.gather [hbm4b:s7+s3], $0x80, v2, vm0, $0xb8;
	[tilespmem:$0x1A000] =	vst v63  }
0x134: {  	s24 =	simm.s32 $0x14000  }
0x135: {  	[tilespmem:s24], [sflag:$0x5] =	stream.indirect_vreg.gather [hbm4b:s8+s3], $0x80, v2, vm0, $0xb8;
	[tilespmem:$0x1A000] =	vst v63  }
0x136: {  	s11 =	simm.s32 $0x14800  }
0x137: {  	[tilespmem:s11], [sflag:$0x5] =	stream.indirect_vreg.gather [hbm4b:s9+s3], $0x80, v2, vm0, $0xb8;
	[tilespmem:$0x1A000] =	vst v63  }
0x138: {  	s15 =	simm.s32 $0x15000  }
0x139: {  	[tilespmem:s15], [sflag:$0x5] =	stream.indirect_vreg.gather [hbm4b:s10+s3], $0x80, v2, vm0, $0xb8;
	[tilespmem:$0x1A000] =	vst v63  }
0x13a: {  	s18 =	simm.s32 $0x15800;
	s19 =	simm.s32 $0x1  }
0x13b: {  	[tilespmem:s18], [sflag:$0x5] =	stream.indirect_vreg.gather [hbm4b:s12+s3], $0x80, v2, vm0, $0xb8;
	[tilespmem:$0x1A000] =	vst v63  }
0x13c: {  	_ =	swait.ge [sflag:s19], $0x4000  }
0x13d: {  	s24 =	rddreg [dreg:$0x6];
	[sflag:s19] =	ssyncset.done $0x0  }
0x13e: {  	[sflag:s19] =	ssyncadd.s32 $0xFFFFC000;
	s24 =	sadd.s32 s16, s24;
	s19 =	simm.s32 $0x2000  }
0x13f: {  	[hbm4b:s24+s17] =	stream.strided.scatter [tilespmem:s19], [sflag:$0x7], $0x4000, s23, s17, $0x38;
	[tilespmem:$0x1A000] =	vst v63  }
0x140: {  	_ =	swait.ge [sflag:s22], $0x4000  }
0x141: {  	[sflag:s22] =	ssyncset.done $0x0  }
0x142: {  	[sflag:s22] =	ssyncadd.s32 $0xFFFFC000  }
0x143: {  	v2 =	vld.msk [tilespmem:s29+$0xFFFFFE00], $0xf;
	_ =	sdelay $0x4  }
0x144: {  	v3 =	vshll.u32 v2, $0x5  }
0x145: {  	v2 =	vand.u32 $0x7, v2;
	v3 =	vand.u32 $0xFFFFFF00, v3  }
0x146: {  	v2 =	vor.u32 v2, v3  }
0x147: {  	v2 =	vperm.xlane v2, v0;
	_ =	sdelay $0x1  }
0x148: {  	v2 =	vadd.s32 v1, v2;
	_ =	sdelay $0x4  }
0x149: {  	[tilespmem:s25], [sflag:$0x6] =	stream.indirect_vreg.gather [hbm4b:s2+s3], $0x80, v2, vm0, $0xb8;
	[tilespmem:$0x1A000] =	vst v63  }
0x14a: {  	s11 =	simm.s32 $0x16800  }
0x14b: {  	[tilespmem:s11], [sflag:$0x6] =	stream.indirect_vreg.gather [hbm4b:s5+s3], $0x80, v2, vm0, $0xb8;
	[tilespmem:$0x1A000] =	vst v63  }
0x14c: {  	s15 =	simm.s32 $0x17000  }
0x14d: {  	[tilespmem:s15], [sflag:$0x6] =	stream.indirect_vreg.gather [hbm4b:s6+s3], $0x80, v2, vm0, $0xb8;
	[tilespmem:$0x1A000] =	vst v63  }
0x14e: {  	s18 =	simm.s32 $0x17800  }
0x14f: {  	[tilespmem:s18], [sflag:$0x6] =	stream.indirect_vreg.gather [hbm4b:s7+s3], $0x80, v2, vm0, $0xb8;
	[tilespmem:$0x1A000] =	vst v63  }
0x150: {  	s11 =	simm.s32 $0x18000  }
0x151: {  	[tilespmem:s11], [sflag:$0x6] =	stream.indirect_vreg.gather [hbm4b:s8+s3], $0x80, v2, vm0, $0xb8;
	[tilespmem:$0x1A000] =	vst v63  }
0x152: {  	s15 =	simm.s32 $0x18800  }
0x153: {  	[tilespmem:s15], [sflag:$0x6] =	stream.indirect_vreg.gather [hbm4b:s9+s3], $0x80, v2, vm0, $0xb8;
	[tilespmem:$0x1A000] =	vst v63  }
0x154: {  	s18 =	simm.s32 $0x19000  }
0x155: {  	[tilespmem:s18], [sflag:$0x6] =	stream.indirect_vreg.gather [hbm4b:s10+s3], $0x80, v2, vm0, $0xb8;
	[tilespmem:$0x1A000] =	vst v63  }
0x156: {  	s11 =	simm.s32 $0x19800;
	s15 =	simm.s32 $0x2  }
0x157: {  	[tilespmem:s11], [sflag:$0x6] =	stream.indirect_vreg.gather [hbm4b:s12+s3], $0x80, v2, vm0, $0xb8;
	[tilespmem:$0x1A000] =	vst v63  }
0x158: {  	_ =	swait.ge [sflag:s15], $0x4000  }
0x159: {  	s24 =	sadd.s32 $0x40, s24;
	[sflag:s15] =	ssyncset.done $0x0  }
0x15a: {  	s18 =	simm.s32 $0x7;
	[sflag:s15] =	ssyncadd.s32 $0xFFFFC000;
	s15 =	simm.s32 $0x6000  }
0x15b: {  	[hbm4b:s24+s17] =	stream.strided.scatter [tilespmem:s15], [sflag:$0x8], $0x4000, s23, s17, $0x38;
	[tilespmem:$0x1A000] =	vst v63  }
0x15c: {  	_ =	swait.ge [sflag:s18], $0x4000  }
0x15d: {  	[sflag:s18] =	ssyncset.done $0x0  }
0x15e: {  	[sflag:s18] =	ssyncadd.s32 $0xFFFFC000  }
0x15f: {  	v2 =	vld.msk [tilespmem:s29+$0xFFFFFE80], $0xf;
	_ =	sdelay $0x4  }
0x160: {  	v3 =	vshll.u32 v2, $0x5  }
0x161: {  	v2 =	vand.u32 $0x7, v2;
	v3 =	vand.u32 $0xFFFFFF00, v3  }
0x162: {  	v2 =	vor.u32 v2, v3  }
0x163: {  	v2 =	vperm.xlane v2, v0;
	_ =	sdelay $0x1  }
0x164: {  	v2 =	vadd.s32 v1, v2;
	_ =	sdelay $0x4  }
0x165: {  	[tilespmem:s19], [sflag:$0x1] =	stream.indirect_vreg.gather [hbm4b:s2+s3], $0x80, v2, vm0, $0xb8;
	[tilespmem:$0x1A000] =	vst v63  }
0x166: {  	s19 =	simm.s32 $0x2800  }
0x167: {  	[tilespmem:s19], [sflag:$0x1] =	stream.indirect_vreg.gather [hbm4b:s5+s3], $0x80, v2, vm0, $0xb8;
	[tilespmem:$0x1A000] =	vst v63  }
0x168: {  	s11 =	simm.s32 $0x3000  }
0x169: {  	[tilespmem:s11], [sflag:$0x1] =	stream.indirect_vreg.gather [hbm4b:s6+s3], $0x80, v2, vm0, $0xb8;
	[tilespmem:$0x1A000] =	vst v63  }
0x16a: {  	s24 =	simm.s32 $0x3800  }
0x16b: {  	[tilespmem:s24], [sflag:$0x1] =	stream.indirect_vreg.gather [hbm4b:s7+s3], $0x80, v2, vm0, $0xb8;
	[tilespmem:$0x1A000] =	vst v63  }
0x16c: {  	s18 =	simm.s32 $0x4000  }
0x16d: {  	[tilespmem:s18], [sflag:$0x1] =	stream.indirect_vreg.gather [hbm4b:s8+s3], $0x80, v2, vm0, $0xb8;
	[tilespmem:$0x1A000] =	vst v63  }
0x16e: {  	s24 =	simm.s32 $0x4800  }
0x16f: {  	[tilespmem:s24], [sflag:$0x1] =	stream.indirect_vreg.gather [hbm4b:s9+s3], $0x80, v2, vm0, $0xb8;
	[tilespmem:$0x1A000] =	vst v63  }
0x170: {  	s18 =	simm.s32 $0x5000  }
0x171: {  	[tilespmem:s18], [sflag:$0x1] =	stream.indirect_vreg.gather [hbm4b:s10+s3], $0x80, v2, vm0, $0xb8;
	[tilespmem:$0x1A000] =	vst v63  }
0x172: {  	s24 =	simm.s32 $0x5800  }
0x173: {  	[tilespmem:s24], [sflag:$0x1] =	stream.indirect_vreg.gather [hbm4b:s12+s3], $0x80, v2, vm0, $0xb8;
	[tilespmem:$0x1A000] =	vst v63  }
0x174: {  	_ =	swait.ge [sflag:s1], $0x4000  }
0x175: {  	s11 =	rddreg [dreg:$0x7];
	[sflag:s1] =	ssyncset.done $0x0  }
0x176: {  	s18 =	simm.s32 $0xA000;
	[sflag:s1] =	ssyncadd.s32 $0xFFFFC000;
	s24 =	sadd.s32 s16, s11  }
0x177: {  	[hbm4b:s24+s17] =	stream.strided.scatter [tilespmem:s18], [sflag:$0x9], $0x4000, s23, s17, $0x38;
	[tilespmem:$0x1A000] =	vst v63  }
0x178: {  	_ =	swait.ge [sflag:s4], $0x4000  }
0x179: {  	[sflag:s4] =	ssyncset.done $0x0  }
0x17a: {  	[sflag:s4] =	ssyncadd.s32 $0xFFFFC000  }
0x17b: {  	v2 =	vld.msk [tilespmem:s29+$0xFFFFFF00], $0xf;
	_ =	sdelay $0x4  }
0x17c: {  	v3 =	vshll.u32 v2, $0x5  }
0x17d: {  	v2 =	vand.u32 $0x7, v2;
	v3 =	vand.u32 $0xFFFFFF00, v3  }
0x17e: {  	v2 =	vor.u32 v2, v3  }
0x17f: {  	v2 =	vperm.xlane v2, v0;
	_ =	sdelay $0x1  }
0x180: {  	v2 =	vadd.s32 v1, v2;
	_ =	sdelay $0x4  }
0x181: {  	[tilespmem:s15], [sflag:$0x2] =	stream.indirect_vreg.gather [hbm4b:s2+s3], $0x80, v2, vm0, $0xb8;
	[tilespmem:$0x1A000] =	vst v63  }
0x182: {  	s15 =	simm.s32 $0x6800  }
0x183: {  	[tilespmem:s15], [sflag:$0x2] =	stream.indirect_vreg.gather [hbm4b:s5+s3], $0x80, v2, vm0, $0xb8;
	[tilespmem:$0x1A000] =	vst v63  }
0x184: {  	s15 =	simm.s32 $0x7000  }
0x185: {  	[tilespmem:s15], [sflag:$0x2] =	stream.indirect_vreg.gather [hbm4b:s6+s3], $0x80, v2, vm0, $0xb8;
	[tilespmem:$0x1A000] =	vst v63  }
0x186: {  	s15 =	simm.s32 $0x7800  }
0x187: {  	[tilespmem:s15], [sflag:$0x2] =	stream.indirect_vreg.gather [hbm4b:s7+s3], $0x80, v2, vm0, $0xb8;
	[tilespmem:$0x1A000] =	vst v63  }
0x188: {  	s15 =	simm.s32 $0x8000  }
0x189: {  	[tilespmem:s15], [sflag:$0x2] =	stream.indirect_vreg.gather [hbm4b:s8+s3], $0x80, v2, vm0, $0xb8;
	[tilespmem:$0x1A000] =	vst v63  }
0x18a: {  	s15 =	simm.s32 $0x8800  }
0x18b: {  	[tilespmem:s15], [sflag:$0x2] =	stream.indirect_vreg.gather [hbm4b:s9+s3], $0x80, v2, vm0, $0xb8;
	[tilespmem:$0x1A000] =	vst v63  }
0x18c: {  	s15 =	simm.s32 $0x9000  }
0x18d: {  	[tilespmem:s15], [sflag:$0x2] =	stream.indirect_vreg.gather [hbm4b:s10+s3], $0x80, v2, vm0, $0xb8;
	[tilespmem:$0x1A000] =	vst v63  }
0x18e: {  	s15 =	simm.s32 $0x9800  }
0x18f: {  	[tilespmem:s15], [sflag:$0x2] =	stream.indirect_vreg.gather [hbm4b:s12+s3], $0x80, v2, vm0, $0xb8;
	[tilespmem:$0x1A000] =	vst v63  }
0x190: {  	_ =	swait.ge [sflag:s13], $0x4000  }
0x191: {  	[sflag:s13] =	ssyncset.done $0x0  }
0x192: {  	s11 =	simm.s32 $0xE000;
	s24 =	sadd.s32 $0x40, s24;
	[sflag:s13] =	ssyncadd.s32 $0xFFFFC000  }
0x193: {  	[hbm4b:s24+s17] =	stream.strided.scatter [tilespmem:s11], [sflag:$0xA], $0x4000, s23, s17, $0x38;
	[tilespmem:$0x1A000] =	vst v63  }
0x194: {  	_ =	swait.ge [sflag:s14], $0x4000  }
0x195: {  	[sflag:s14] =	ssyncset.done $0x0  }
0x196: {  	[sflag:s14] =	ssyncadd.s32 $0xFFFFC000  }
0x197: {  	v2 =	vld.msk [tilespmem:s29+$0xFFFFFF80], $0xf;
	_ =	sdelay $0x4  }
0x198: {  	v3 =	vshll.u32 v2, $0x5  }
0x199: {  	v2 =	vand.u32 $0x7, v2;
	v3 =	vand.u32 $0xFFFFFF00, v3  }
0x19a: {  	v2 =	vor.u32 v2, v3  }
0x19b: {  	v2 =	vperm.xlane v2, v0;
	_ =	sdelay $0x1  }
0x19c: {  	v2 =	vadd.s32 v1, v2;
	_ =	sdelay $0x4  }
0x19d: {  	[tilespmem:s18], [sflag:$0x3] =	stream.indirect_vreg.gather [hbm4b:s2+s3], $0x80, v2, vm0, $0xb8;
	[tilespmem:$0x1A000] =	vst v63  }
0x19e: {  	s24 =	simm.s32 $0xA800  }
0x19f: {  	[tilespmem:s24], [sflag:$0x3] =	stream.indirect_vreg.gather [hbm4b:s5+s3], $0x80, v2, vm0, $0xb8;
	[tilespmem:$0x1A000] =	vst v63  }
0x1a0: {  	s24 =	simm.s32 $0xB000  }
0x1a1: {  	[tilespmem:s24], [sflag:$0x3] =	stream.indirect_vreg.gather [hbm4b:s6+s3], $0x80, v2, vm0, $0xb8;
	[tilespmem:$0x1A000] =	vst v63  }
0x1a2: {  	s24 =	simm.s32 $0xB800  }
0x1a3: {  	[tilespmem:s24], [sflag:$0x3] =	stream.indirect_vreg.gather [hbm4b:s7+s3], $0x80, v2, vm0, $0xb8;
	[tilespmem:$0x1A000] =	vst v63  }
0x1a4: {  	s24 =	simm.s32 $0xC000  }
0x1a5: {  	[tilespmem:s24], [sflag:$0x3] =	stream.indirect_vreg.gather [hbm4b:s8+s3], $0x80, v2, vm0, $0xb8;
	[tilespmem:$0x1A000] =	vst v63  }
0x1a6: {  	s24 =	simm.s32 $0xC800  }
0x1a7: {  	[tilespmem:s24], [sflag:$0x3] =	stream.indirect_vreg.gather [hbm4b:s9+s3], $0x80, v2, vm0, $0xb8;
	[tilespmem:$0x1A000] =	vst v63  }
0x1a8: {  	s24 =	simm.s32 $0xD000  }
0x1a9: {  	[tilespmem:s24], [sflag:$0x3] =	stream.indirect_vreg.gather [hbm4b:s10+s3], $0x80, v2, vm0, $0xb8;
	[tilespmem:$0x1A000] =	vst v63  }
0x1aa: {  	s24 =	simm.s32 $0xD800  }
0x1ab: {  	[tilespmem:s24], [sflag:$0x3] =	stream.indirect_vreg.gather [hbm4b:s12+s3], $0x80, v2, vm0, $0xb8;
	[tilespmem:$0x1A000] =	vst v63  }
0x1ac: {  	_ =	swait.ge [sflag:s26], $0x4000  }
0x1ad: {  	s18 =	rddreg [dreg:$0x4];
	[sflag:s26] =	ssyncset.done $0x0  }
0x1ae: {  	[sflag:s26] =	ssyncadd.s32 $0xFFFFC000;
	s24 =	sadd.s32 s16, s18  }
0x1af: {  	[hbm4b:s24+s17] =	stream.strided.scatter [tilespmem:s31], [sflag:$0xB], $0x4000, s23, s17, $0x38;
	[tilespmem:$0x1A000] =	vst v63  }
0x1b0: {  	_ =	swait.ge [sflag:s20], $0x4000  }
0x1b1: {  	[sflag:s20] =	ssyncset.done $0x0  }
0x1b2: {  	[sflag:s20] =	ssyncadd.s32 $0xFFFFC000  }
0x1b3: {  	v2 =	vld.msk [tilespmem:s29+$0x0], $0xf;
	_ =	sdelay $0x4  }
0x1b4: {  	v3 =	vshll.u32 v2, $0x5  }
0x1b5: {  	v2 =	vand.u32 $0x7, v2;
	v3 =	vand.u32 $0xFFFFFF00, v3  }
0x1b6: {  	v2 =	vor.u32 v2, v3  }
0x1b7: {  	v2 =	vperm.xlane v2, v0;
	_ =	sdelay $0x1  }
0x1b8: {  	v2 =	vadd.s32 v1, v2;
	_ =	sdelay $0x4  }
0x1b9: {  	[tilespmem:s11], [sflag:$0x4] =	stream.indirect_vreg.gather [hbm4b:s2+s3], $0x80, v2, vm0, $0xb8;
	[tilespmem:$0x1A000] =	vst v63  }
0x1ba: {  	s11 =	simm.s32 $0xE800  }
0x1bb: {  	[tilespmem:s11], [sflag:$0x4] =	stream.indirect_vreg.gather [hbm4b:s5+s3], $0x80, v2, vm0, $0xb8;
	[tilespmem:$0x1A000] =	vst v63  }
0x1bc: {  	s31 =	simm.s32 $0xF000  }
0x1bd: {  	[tilespmem:s31], [sflag:$0x4] =	stream.indirect_vreg.gather [hbm4b:s6+s3], $0x80, v2, vm0, $0xb8;
	[tilespmem:$0x1A000] =	vst v63  }
0x1be: {  	s31 =	simm.s32 $0xF800  }
0x1bf: {  	[tilespmem:s31], [sflag:$0x4] =	stream.indirect_vreg.gather [hbm4b:s7+s3], $0x80, v2, vm0, $0xb8;
	[tilespmem:$0x1A000] =	vst v63  }
0x1c0: {  	s31 =	simm.s32 $0x10000  }
0x1c1: {  	[tilespmem:s31], [sflag:$0x4] =	stream.indirect_vreg.gather [hbm4b:s8+s3], $0x80, v2, vm0, $0xb8;
	[tilespmem:$0x1A000] =	vst v63  }
0x1c2: {  	s31 =	simm.s32 $0x10800  }
0x1c3: {  	[tilespmem:s31], [sflag:$0x4] =	stream.indirect_vreg.gather [hbm4b:s9+s3], $0x80, v2, vm0, $0xb8;
	[tilespmem:$0x1A000] =	vst v63  }
0x1c4: {  	s31 =	simm.s32 $0x11000  }
0x1c5: {  	[tilespmem:s31], [sflag:$0x4] =	stream.indirect_vreg.gather [hbm4b:s10+s3], $0x80, v2, vm0, $0xb8;
	[tilespmem:$0x1A000] =	vst v63  }
0x1c6: {  	p0 =	sne.s32 s16, $0x18000;
	s31 =	simm.s32 $0x11800  }
0x1c7: {  	[tilespmem:s31], [sflag:$0x4] =	stream.indirect_vreg.gather [hbm4b:s12+s3], $0x80, v2, vm0, $0xb8;
	[tilespmem:$0x1A000] =	vst v63  }
.Ltmp0:
0x1c8: {  	s28 =	simm.s32 $0x6000;
	s0 =	simm.s32 $0x2000;
	(pc) =	sbr.rel @p0 .LBB2_2-.Ltmp0, $4  }
0x1c9: {  	s15 =	simm.s32 $0xA000;
	s18 =	simm.s32 $0xE000;
	_ =	swait.ge [sflag:s30], $0x4000  }
0x1ca: {  	s29 =	sadd.s32 $0x300, s29;
	s31 =	rddreg [dreg:$0x5];
	[sflag:s30] =	ssyncset.done $0x0  }
0x1cb: {  	[sflag:s30] =	ssyncadd.s32 $0xFFFFC000;
	s24 =	sadd.s32 s16, s31;
	s16 =	sadd.s32 $0x3000, s16  }
0x1cc: {  	[hbm4b:s24+s17] =	stream.strided.scatter [tilespmem:s25], [sflag:$0xC], $0x4000, s23, s17, $0x38;
	[tilespmem:$0x1A000] =	vst v63  }
0x1cd: {  	_ =	swait.ge [sflag:s21], $0x4000  }
0x1ce: {  	[sflag:s21] =	ssyncset.done $0x0  }
0x1cf: {  	s16 =	simm.s32 $0x1;
	[sflag:s21] =	ssyncadd.s32 $0xFFFFC000  }
0x1d0: {  	_ =	swait.ge [sflag:s16], $0x4000  }
0x1d1: {  	[sflag:s16] =	ssyncset.done $0x0  }
0x1d2: {  	s30 =	rddreg [dreg:$0xf];
	[sflag:s16] =	ssyncadd.s32 $0xFFFFC000  }
0x1d3: {  	[hbm4b:s30+s17] =	stream.strided.scatter [tilespmem:s0], [sflag:$0x7], $0x4000, s23, s17, $0x38;
	[tilespmem:$0x1A000] =	vst v63  }
0x1d4: {  	_ =	swait.ge [sflag:s22], $0x4000  }
0x1d5: {  	[sflag:s22] =	ssyncset.done $0x0  }
0x1d6: {  	s31 =	simm.s32 $0x2;
	[sflag:s22] =	ssyncadd.s32 $0xFFFFC000  }
0x1d7: {  	_ =	swait.ge [sflag:s31], $0x4000  }
0x1d8: {  	[sflag:s31] =	ssyncset.done $0x0  }
0x1d9: {  	s24 =	simm.s32 $0x7;
	s0 =	rddreg [dreg:$0x10];
	[sflag:s31] =	ssyncadd.s32 $0xFFFFC000  }
0x1da: {  	[hbm4b:s0+s17] =	stream.strided.scatter [tilespmem:s28], [sflag:$0x8], $0x4000, s23, s17, $0x38;
	[tilespmem:$0x1A000] =	vst v63  }
0x1db: {  	_ =	swait.ge [sflag:s24], $0x4000  }
0x1dc: {  	[sflag:s24] =	ssyncset.done $0x0  }
0x1dd: {  	[sflag:s24] =	ssyncadd.s32 $0xFFFFC000  }
0x1de: {  	_ =	swait.ge [sflag:s1], $0x4000  }
0x1df: {  	[sflag:s1] =	ssyncset.done $0x0  }
0x1e0: {  	s26 =	rddreg [dreg:$0x11];
	[sflag:s1] =	ssyncadd.s32 $0xFFFFC000  }
0x1e1: {  	[hbm4b:s26+s17] =	stream.strided.scatter [tilespmem:s15], [sflag:$0x9], $0x4000, s23, s17, $0x38;
	[tilespmem:$0x1A000] =	vst v63  }
0x1e2: {  	_ =	swait.ge [sflag:s4], $0x4000  }
0x1e3: {  	[sflag:s4] =	ssyncset.done $0x0  }
0x1e4: {  	[sflag:s4] =	ssyncadd.s32 $0xFFFFC000  }
0x1e5: {  	_ =	swait.ge [sflag:s13], $0x4000  }
0x1e6: {  	[sflag:s13] =	ssyncset.done $0x0  }
0x1e7: {  	s30 =	rddreg [dreg:$0x12];
	[sflag:s13] =	ssyncadd.s32 $0xFFFFC000  }
0x1e8: {  	[hbm4b:s30+s17] =	stream.strided.scatter [tilespmem:s18], [sflag:$0xA], $0x4000, s23, s17, $0x38;
	[tilespmem:$0x1A000] =	vst v63  }
0x1e9: {  	_ =	swait.ge [sflag:s14], $0x4000  }
0x1ea: {  	[sflag:s14] =	ssyncset.done $0x0  }
0x1eb: {  	[sflag:s14] =	ssyncadd.s32 $0xFFFFC000  }
0x1ec: {  	_ =	swait.ge [sflag:s20], $0x4000  }
0x1ed: {  	s24 =	rddreg [dreg:$0x14]  }
0x1ee: {  	s31 =	rddreg [dreg:$0x13];
	s24 =	sadd.s32 $0x1, s24  }
0x1ef: {  	p0 =	sne.s32 s24, s31  }
.Ltmp1:
0x1f0: {  	_ = 	snop;
	(pc) =	sbr.rel @p0 .LBB2_1-.Ltmp1, $4  }
0x1f1: {  	_ = 	snop  }
0x1f2: {  	s29 =	simm.s32 $0x5000  }
0x1f3: {  	s0 =	simm.s32 $0x3000;
	s28 =	simm.s32 $0x4000;
	[sflag:s20] =	ssyncset.done $0x0  }
0x1f4: {  	s15 =	simm.s32 $0x3800;
	s18 =	simm.s32 $0x4800;
	[sflag:s20] =	ssyncadd.s32 $0xFFFFC000  }
0x1f5: {  	_ =	sfence.sel $0x180000  }
0x1f6: {  	[bflag:$0x0] =	sbarrier.arrive $0xFFFF  }
0x1f7: {  	_ =	strace $0x90000047  }
0x1f8: {  	s0 =	stileid.u32;
	[bflag:$0x2] =	sbarrier.arrive $0xFFFF  }
0x1f9: {  	p0 =	sne.s32 s0, $0x0;
	s0 =	rddreg [dreg:$0x3]  }
0x1fa: {  	s0 =	sadd.s32 @!p0 $0x100000, s0  }
0x1fb: {  	[sflag:s0] =	ssyncadd.tile.s32 @!p0 $0x1;
	_ =	shalt  }
.Lfunc_end2:
_tile_overlayer_lowered:
.L_overlay_start_2:
0x1fc: {  	(tag) =	ssettag $0x2  }
0x1fd: {  	s0 =	rddreg [dreg:$0x0];
	s2 =	stileid.u32  }
0x1fe: {  	s1 =	rddreg [dreg:$0x1];
	p0 =	sne.s32 s2, $0x0  }
0x1ff: {  	s3 =	rddreg [dreg:$0x2];
	[bflag:$0x3] =	sbarrier.arrive $0xFFFF;
	s2 =	simm.s32 @!p0 $0x1C0D  }
0x200: {  	[timem:s3], [sflag:s2] =	dma.local @!p0 [hbm:s0], s1  }
0x201: {  	s0 =	simm.s32 @!p0 $0xD  }
0x202: {  	_ =	swait.ge @!p0 [sflag:s0], s1  }
0x203: {  	s1 =	ssub.s32 @!p0 $0x0, s1;
	[sflag:s0] =	ssyncset.done @!p0 $0x0  }
0x204: {  	[sflag:s0] =	ssyncadd.s32 @!p0 s1  }
0x205: {  	[bflag:$0x3] =	sbarrier.arrive $0xFFFF  }
0x206: {  	_ =	shalt  }

</sc_bundles>
